<compile_context>
chip_gen: v7x
topology: tpu7x:2x2x1
jax: 0.10.2.dev20260603
libtpu: 0.0.44.dev20260713+nightly
codegen_flags: <defaults>
</compile_context>

<pallas_src>
import functools

import jax
import jax.numpy as jnp
from jax import lax
from jax.experimental import pallas as pl
from jax.experimental.pallas import tpu as pltpu
from jax.experimental.pallas import tpu_sc as plsc

VOCAB = 100000
D_MODEL = 4096
BATCH = 4
SEQ = 4096

N_IDX = BATCH * SEQ
NUM_WORKERS = 32
PER_W = N_IDX // NUM_WORKERS
ROWS = 8
CHUNKS = PER_W // ROWS
NBUF = 3


@functools.partial(
    pl.kernel,
    mesh=plsc.VectorSubcoreMesh(core_axis_name="c", subcore_axis_name="s"),
    out_type=jax.ShapeDtypeStruct((N_IDX, D_MODEL), jnp.float32),
    scratch_types=[
        pltpu.VMEM((PER_W,), jnp.int32),
        pltpu.VMEM((NBUF, ROWS, D_MODEL), jnp.float32),
        pltpu.SemaphoreType.DMA,
        pltpu.SemaphoreType.DMA,
        pltpu.SemaphoreType.DMA,
        pltpu.SemaphoreType.DMA,
        pltpu.SemaphoreType.DMA,
        pltpu.SemaphoreType.DMA,
    ],
)
def _embed_gather(ids_hbm, table_hbm, out_hbm, idx_v, buf, g0, g1, g2, s0, s1, s2):
    gsem = (g0, g1, g2)
    ssem = (s0, s1, s2)
    wid = lax.axis_index("s") * 2 + lax.axis_index("c")
    base = wid * PER_W
    pltpu.sync_copy(ids_hbm.at[pl.ds(base, PER_W)], idx_v)

    def start_gather(c, b):
        pltpu.async_copy(
            table_hbm.at[idx_v.at[pl.ds(c * ROWS, ROWS)]], buf.at[b], gsem[b]
        )

    def wait_gather(b):
        pltpu.make_async_copy(
            table_hbm.at[pl.ds(0, ROWS)], buf.at[b], gsem[b]
        ).wait()

    def start_scatter(c, b):
        pltpu.async_copy(
            buf.at[b], out_hbm.at[pl.ds(base + c * ROWS, ROWS)], ssem[b]
        )

    def wait_scatter(b):
        pltpu.make_async_copy(
            table_hbm.at[pl.ds(0, ROWS)], buf.at[b], ssem[b]
        ).wait()

    start_gather(0, 0)
    start_gather(1, 1)
    start_gather(2, 2)
    wait_gather(0)
    start_scatter(0, 0)
    wait_gather(1)
    start_scatter(1, 1)
    wait_gather(2)
    start_scatter(2, 2)
    wait_scatter(0)
    start_gather(3, 0)

    def outer(i, carry):
        for j in range(3):
            c = i * 3 + j
            b = j
            nb = (j + 1) % 3
            wait_gather(b)
            start_scatter(c, b)
            wait_scatter(nb)
            start_gather(c + 1, nb)
        return carry

    lax.fori_loop(1, 21, outer, 0)

    wait_gather(0)
    start_scatter(CHUNKS - 1, 0)
    wait_scatter(1)
    wait_scatter(2)
    wait_scatter(0)


def kernel(input_ids, table):
    ids = input_ids.reshape(N_IDX).astype(jnp.int32)
    out = _embed_gather(ids, table)
    return out.reshape(BATCH, SEQ, D_MODEL)

# --- scband reference (transcript-rebuilt; emitter-appended) ---
"""Pipeline reference for scband-token-embed-36395552866458 (READ-ONLY COPY).

The authoritative reference and input builder live on the scoring server;
editing this copy changes nothing except your own understanding.
"""

import jax, jax.numpy as jnp
import numpy as np

VOCAB = 100000
D_MODEL = 4096
BATCH = 4
SEQ = 4096


def setup_inputs(seed: int = 0) -> dict:
    key = jax.random.key(seed)
    k_ids, k_w = jax.random.split(key)
    input_ids = jax.random.randint(k_ids, (BATCH, SEQ), 0, VOCAB, dtype=jnp.int64 if jax.config.jax_enable_x64 else jnp.int32)
    # nn.Embedding default init: N(0, 1)
    table = jax.random.normal(k_w, (VOCAB, D_MODEL), dtype=jnp.float32)
    return {"input_ids": input_ids, "table": table}


def reference(input_ids, table):
    # Faithful to nn.Embedding forward: row gather from the table.
    return jnp.take(table, input_ids, axis=0)

if __name__ == "__main__":
    import jax
    _d = setup_inputs()
    print(jax.jit(kernel)(*tuple(_d.values())))

</pallas_src>

<mosaic_0001>
#map = affine_map<(d0, d1) -> (0)>
#map1 = affine_map<(d0, d1) -> (0, 0)>
module attributes {stable_mosaic.version = 14 : i64} {
  func.func @_embed_gather(%arg0: i32, %arg1: i32, %arg2: memref<16384xi32, #tpu.memory_space<hbm>>, %arg3: memref<100000x4096xf32, #tpu.memory_space<hbm>>, %arg4: memref<16384x4096xf32, #tpu.memory_space<hbm>>, %arg5: memref<512xi32, #tpu.memory_space<vmem>>, %arg6: memref<3x8x4096xf32, #tpu.memory_space<vmem>>, %arg7: memref<!tpu.dma_semaphore, #tpu.memory_space<semaphore_mem>>, %arg8: memref<!tpu.dma_semaphore, #tpu.memory_space<semaphore_mem>>, %arg9: memref<!tpu.dma_semaphore, #tpu.memory_space<semaphore_mem>>, %arg10: memref<!tpu.dma_semaphore, #tpu.memory_space<semaphore_mem>>, %arg11: memref<!tpu.dma_semaphore, #tpu.memory_space<semaphore_mem>>, %arg12: memref<!tpu.dma_semaphore, #tpu.memory_space<semaphore_mem>>) attributes {dimension_semantics = [#tpu.dimension_semantics<core_parallel>, #tpu.dimension_semantics<subcore_parallel>], iteration_bounds = array<i64: 2, 16>, scalar_prefetch = 0 : i64, scratch_operands = 8 : i64, tpu.core_type = #tpu.core_type<sc_vector_subcore>, window_params = [{transform_indices = #map}, {transform_indices = #map1}, {transform_indices = #map1}]} {
    %mul3A = arith.constant 2 : i32
    %mul3A_0 = arith.muli %arg1, %mul3A : i32
    %add3A = arith.addi %mul3A_0, %arg0 : i32
    %mul3A_1 = arith.constant 512 : i32
    %mul3A_2 = arith.muli %add3A, %mul3A_1 : i32
    "tpu.region"() ({
      %run_scoped3A = tpu.sem_alloc : memref<!tpu.dma_semaphore, #tpu.memory_space<semaphore_mem>>
      %dma_start3A_226 = tpu.memref_slice %arg2[%mul3A_2] : memref<16384xi32, #tpu.memory_space<hbm>> -> memref<512xi32, #tpu.memory_space<hbm>>
      %dma_start3A_227 = tpu.memref_slice %arg2[%mul3A_2] : memref<16384xi32, #tpu.memory_space<hbm>> -> memref<512xi32, #tpu.memory_space<hbm>>
      tpu.enqueue_dma source(%dma_start3A_227 : memref<512xi32, #tpu.memory_space<hbm>>) target(%arg5 : memref<512xi32, #tpu.memory_space<vmem>>) target_semaphore(%run_scoped3A : memref<!tpu.dma_semaphore, #tpu.memory_space<semaphore_mem>>)
      %dma_wait3A_228 = tpu.memref_slice %arg2[%mul3A_2] : memref<16384xi32, #tpu.memory_space<hbm>> -> memref<512xi32, #tpu.memory_space<hbm>>
      %dma_wait3A_229 = tpu.memref_slice %arg2[%mul3A_2] : memref<16384xi32, #tpu.memory_space<hbm>> -> memref<512xi32, #tpu.memory_space<hbm>>
      tpu.wait_dma2 semaphore(%run_scoped3A : memref<!tpu.dma_semaphore, #tpu.memory_space<semaphore_mem>>) src(%dma_wait3A_229 : memref<512xi32, #tpu.memory_space<hbm>>) dst(%arg5 : memref<512xi32, #tpu.memory_space<vmem>>)
      tpu.yield
    }) : () -> ()
    %dma_start3A = arith.constant 0 : i32
    %dma_start3A_3 = arith.constant 0 : i32
    %dma_start3A_4 = arith.constant 0 : i32
    %dma_start3A_5 = tpu.memref_slice %arg6[%dma_start3A, %dma_start3A_3, %dma_start3A_4] : memref<3x8x4096xf32, #tpu.memory_space<vmem>> -> memref<1x8x4096xf32, #tpu.memory_space<vmem>>
    %dma_start3A_6 = tpu.memref_squeeze %dma_start3A_5 : memref<1x8x4096xf32, #tpu.memory_space<vmem>> -> memref<8x4096xf32, #tpu.memory_space<vmem>>
    %dma_start3A_7 = arith.constant 0 : i32
    %dma_start3A_8 = tpu.memref_slice %arg5[%dma_start3A_7] : memref<512xi32, #tpu.memory_space<vmem>> -> memref<8xi32, #tpu.memory_space<vmem>>
    %dma_start3A_9 = arith.constant 0 : i32
    %dma_start3A_10 = arith.constant 0 : i32
    %dma_start3A_11 = tpu.memref_slice %arg3[%dma_start3A_9, %dma_start3A_10] : memref<100000x4096xf32, #tpu.memory_space<hbm>> -> memref<100000x4096xf32, #tpu.memory_space<hbm>>
    tpu.enqueue_indirect_dma source(%dma_start3A_11 : memref<100000x4096xf32, #tpu.memory_space<hbm>>) target(%dma_start3A_6 : memref<8x4096xf32, #tpu.memory_space<vmem>>) offsets(%dma_start3A_8 : memref<8xi32, #tpu.memory_space<vmem>>) semaphore(%arg7 : memref<!tpu.dma_semaphore, #tpu.memory_space<semaphore_mem>>)
    %dma_start3A_12 = arith.constant 1 : i32
    %dma_start3A_13 = arith.constant 0 : i32
    %dma_start3A_14 = arith.constant 0 : i32
    %dma_start3A_15 = tpu.memref_slice %arg6[%dma_start3A_12, %dma_start3A_13, %dma_start3A_14] : memref<3x8x4096xf32, #tpu.memory_space<vmem>> -> memref<1x8x4096xf32, #tpu.memory_space<vmem>>
    %dma_start3A_16 = tpu.memref_squeeze %dma_start3A_15 : memref<1x8x4096xf32, #tpu.memory_space<vmem>> -> memref<8x4096xf32, #tpu.memory_space<vmem>>
    %dma_start3A_17 = arith.constant 8 : i32
    %dma_start3A_18 = tpu.memref_slice %arg5[%dma_start3A_17] : memref<512xi32, #tpu.memory_space<vmem>> -> memref<8xi32, #tpu.memory_space<vmem>>
    %dma_start3A_19 = arith.constant 0 : i32
    %dma_start3A_20 = arith.constant 0 : i32
    %dma_start3A_21 = tpu.memref_slice %arg3[%dma_start3A_19, %dma_start3A_20] : memref<100000x4096xf32, #tpu.memory_space<hbm>> -> memref<100000x4096xf32, #tpu.memory_space<hbm>>
    tpu.enqueue_indirect_dma source(%dma_start3A_21 : memref<100000x4096xf32, #tpu.memory_space<hbm>>) target(%dma_start3A_16 : memref<8x4096xf32, #tpu.memory_space<vmem>>) offsets(%dma_start3A_18 : memref<8xi32, #tpu.memory_space<vmem>>) semaphore(%arg8 : memref<!tpu.dma_semaphore, #tpu.memory_space<semaphore_mem>>)
    %dma_start3A_22 = arith.constant 2 : i32
    %dma_start3A_23 = arith.constant 0 : i32
    %dma_start3A_24 = arith.constant 0 : i32
    %dma_start3A_25 = tpu.memref_slice %arg6[%dma_start3A_22, %dma_start3A_23, %dma_start3A_24] : memref<3x8x4096xf32, #tpu.memory_space<vmem>> -> memref<1x8x4096xf32, #tpu.memory_space<vmem>>
    %dma_start3A_26 = tpu.memref_squeeze %dma_start3A_25 : memref<1x8x4096xf32, #tpu.memory_space<vmem>> -> memref<8x4096xf32, #tpu.memory_space<vmem>>
    %dma_start3A_27 = arith.constant 16 : i32
    %dma_start3A_28 = tpu.memref_slice %arg5[%dma_start3A_27] : memref<512xi32, #tpu.memory_space<vmem>> -> memref<8xi32, #tpu.memory_space<vmem>>
    %dma_start3A_29 = arith.constant 0 : i32
    %dma_start3A_30 = arith.constant 0 : i32
    %dma_start3A_31 = tpu.memref_slice %arg3[%dma_start3A_29, %dma_start3A_30] : memref<100000x4096xf32, #tpu.memory_space<hbm>> -> memref<100000x4096xf32, #tpu.memory_space<hbm>>
    tpu.enqueue_indirect_dma source(%dma_start3A_31 : memref<100000x4096xf32, #tpu.memory_space<hbm>>) target(%dma_start3A_26 : memref<8x4096xf32, #tpu.memory_space<vmem>>) offsets(%dma_start3A_28 : memref<8xi32, #tpu.memory_space<vmem>>) semaphore(%arg9 : memref<!tpu.dma_semaphore, #tpu.memory_space<semaphore_mem>>)
    %dma_wait3A = arith.constant 0 : i32
    %dma_wait3A_32 = arith.constant 0 : i32
    %dma_wait3A_33 = arith.constant 0 : i32
    %dma_wait3A_34 = tpu.memref_slice %arg6[%dma_wait3A, %dma_wait3A_32, %dma_wait3A_33] : memref<3x8x4096xf32, #tpu.memory_space<vmem>> -> memref<1x8x4096xf32, #tpu.memory_space<vmem>>
    %dma_wait3A_35 = tpu.memref_squeeze %dma_wait3A_34 : memref<1x8x4096xf32, #tpu.memory_space<vmem>> -> memref<8x4096xf32, #tpu.memory_space<vmem>>
    %dma_wait3A_36 = arith.constant 0 : i32
    %dma_wait3A_37 = arith.constant 0 : i32
    %dma_wait3A_38 = tpu.memref_slice %arg3[%dma_wait3A_36, %dma_wait3A_37] : memref<100000x4096xf32, #tpu.memory_space<hbm>> -> memref<8x4096xf32, #tpu.memory_space<hbm>>
    %dma_wait3A_39 = arith.constant 0 : i32
    %dma_wait3A_40 = arith.constant 0 : i32
    %dma_wait3A_41 = tpu.memref_slice %arg6[%dma_wait3A, %dma_wait3A_39, %dma_wait3A_40] : memref<3x8x4096xf32, #tpu.memory_space<vmem>> -> memref<1x8x4096xf32, #tpu.memory_space<vmem>>
    %dma_wait3A_42 = tpu.memref_squeeze %dma_wait3A_41 : memref<1x8x4096xf32, #tpu.memory_space<vmem>> -> memref<8x4096xf32, #tpu.memory_space<vmem>>
    %dma_wait3A_43 = arith.constant 0 : i32
    %dma_wait3A_44 = arith.constant 0 : i32
    %dma_wait3A_45 = tpu.memref_slice %arg3[%dma_wait3A_43, %dma_wait3A_44] : memref<100000x4096xf32, #tpu.memory_space<hbm>> -> memref<8x4096xf32, #tpu.memory_space<hbm>>
    tpu.wait_dma2 semaphore(%arg7 : memref<!tpu.dma_semaphore, #tpu.memory_space<semaphore_mem>>) src(%dma_wait3A_45 : memref<8x4096xf32, #tpu.memory_space<hbm>>) dst(%dma_wait3A_42 : memref<8x4096xf32, #tpu.memory_space<vmem>>)
    %add3A_46 = arith.constant 0 : i32
    %add3A_47 = arith.addi %mul3A_2, %add3A_46 : i32
    %dma_start3A_48 = arith.constant 0 : i32
    %dma_start3A_49 = arith.constant 0 : i32
    %dma_start3A_50 = arith.constant 0 : i32
    %dma_start3A_51 = tpu.memref_slice %arg6[%dma_start3A_48, %dma_start3A_49, %dma_start3A_50] : memref<3x8x4096xf32, #tpu.memory_space<vmem>> -> memref<1x8x4096xf32, #tpu.memory_space<vmem>>
    %dma_start3A_52 = tpu.memref_squeeze %dma_start3A_51 : memref<1x8x4096xf32, #tpu.memory_space<vmem>> -> memref<8x4096xf32, #tpu.memory_space<vmem>>
    %dma_start3A_53 = arith.constant 0 : i32
    %dma_start3A_54 = tpu.memref_slice %arg4[%add3A_47, %dma_start3A_53] : memref<16384x4096xf32, #tpu.memory_space<hbm>> -> memref<8x4096xf32, #tpu.memory_space<hbm>>
    %dma_start3A_55 = arith.constant 0 : i32
    %dma_start3A_56 = tpu.memref_slice %arg4[%add3A_47, %dma_start3A_55] : memref<16384x4096xf32, #tpu.memory_space<hbm>> -> memref<8x4096xf32, #tpu.memory_space<hbm>>
    %dma_start3A_57 = arith.constant 0 : i32
    %dma_start3A_58 = arith.constant 0 : i32
    %dma_start3A_59 = tpu.memref_slice %arg6[%dma_start3A_48, %dma_start3A_57, %dma_start3A_58] : memref<3x8x4096xf32, #tpu.memory_space<vmem>> -> memref<1x8x4096xf32, #tpu.memory_space<vmem>>
    %dma_start3A_60 = tpu.memref_squeeze %dma_start3A_59 : memref<1x8x4096xf32, #tpu.memory_space<vmem>> -> memref<8x4096xf32, #tpu.memory_space<vmem>>
    tpu.enqueue_dma source(%dma_start3A_60 : memref<8x4096xf32, #tpu.memory_space<vmem>>) target(%dma_start3A_56 : memref<8x4096xf32, #tpu.memory_space<hbm>>) target_semaphore(%arg10 : memref<!tpu.dma_semaphore, #tpu.memory_space<semaphore_mem>>)
    %dma_wait3A_61 = arith.constant 1 : i32
    %dma_wait3A_62 = arith.constant 0 : i32
    %dma_wait3A_63 = arith.constant 0 : i32
    %dma_wait3A_64 = tpu.memref_slice %arg6[%dma_wait3A_61, %dma_wait3A_62, %dma_wait3A_63] : memref<3x8x4096xf32, #tpu.memory_space<vmem>> -> memref<1x8x4096xf32, #tpu.memory_space<vmem>>
    %dma_wait3A_65 = tpu.memref_squeeze %dma_wait3A_64 : memref<1x8x4096xf32, #tpu.memory_space<vmem>> -> memref<8x4096xf32, #tpu.memory_space<vmem>>
    %dma_wait3A_66 = arith.constant 0 : i32
    %dma_wait3A_67 = arith.constant 0 : i32
    %dma_wait3A_68 = tpu.memref_slice %arg3[%dma_wait3A_66, %dma_wait3A_67] : memref<100000x4096xf32, #tpu.memory_space<hbm>> -> memref<8x4096xf32, #tpu.memory_space<hbm>>
    %dma_wait3A_69 = arith.constant 0 : i32
    %dma_wait3A_70 = arith.constant 0 : i32
    %dma_wait3A_71 = tpu.memref_slice %arg6[%dma_wait3A_61, %dma_wait3A_69, %dma_wait3A_70] : memref<3x8x4096xf32, #tpu.memory_space<vmem>> -> memref<1x8x4096xf32, #tpu.memory_space<vmem>>
    %dma_wait3A_72 = tpu.memref_squeeze %dma_wait3A_71 : memref<1x8x4096xf32, #tpu.memory_space<vmem>> -> memref<8x4096xf32, #tpu.memory_space<vmem>>
    %dma_wait3A_73 = arith.constant 0 : i32
    %dma_wait3A_74 = arith.constant 0 : i32
    %dma_wait3A_75 = tpu.memref_slice %arg3[%dma_wait3A_73, %dma_wait3A_74] : memref<100000x4096xf32, #tpu.memory_space<hbm>> -> memref<8x4096xf32, #tpu.memory_space<hbm>>
    tpu.wait_dma2 semaphore(%arg8 : memref<!tpu.dma_semaphore, #tpu.memory_space<semaphore_mem>>) src(%dma_wait3A_75 : memref<8x4096xf32, #tpu.memory_space<hbm>>) dst(%dma_wait3A_72 : memref<8x4096xf32, #tpu.memory_space<vmem>>)
    %add3A_76 = arith.constant 8 : i32
    %add3A_77 = arith.addi %mul3A_2, %add3A_76 : i32
    %dma_start3A_78 = arith.constant 1 : i32
    %dma_start3A_79 = arith.constant 0 : i32
    %dma_start3A_80 = arith.constant 0 : i32
    %dma_start3A_81 = tpu.memref_slice %arg6[%dma_start3A_78, %dma_start3A_79, %dma_start3A_80] : memref<3x8x4096xf32, #tpu.memory_space<vmem>> -> memref<1x8x4096xf32, #tpu.memory_space<vmem>>
    %dma_start3A_82 = tpu.memref_squeeze %dma_start3A_81 : memref<1x8x4096xf32, #tpu.memory_space<vmem>> -> memref<8x4096xf32, #tpu.memory_space<vmem>>
    %dma_start3A_83 = arith.constant 0 : i32
    %dma_start3A_84 = tpu.memref_slice %arg4[%add3A_77, %dma_start3A_83] : memref<16384x4096xf32, #tpu.memory_space<hbm>> -> memref<8x4096xf32, #tpu.memory_space<hbm>>
    %dma_start3A_85 = arith.constant 0 : i32
    %dma_start3A_86 = tpu.memref_slice %arg4[%add3A_77, %dma_start3A_85] : memref<16384x4096xf32, #tpu.memory_space<hbm>> -> memref<8x4096xf32, #tpu.memory_space<hbm>>
    %dma_start3A_87 = arith.constant 0 : i32
    %dma_start3A_88 = arith.constant 0 : i32
    %dma_start3A_89 = tpu.memref_slice %arg6[%dma_start3A_78, %dma_start3A_87, %dma_start3A_88] : memref<3x8x4096xf32, #tpu.memory_space<vmem>> -> memref<1x8x4096xf32, #tpu.memory_space<vmem>>
    %dma_start3A_90 = tpu.memref_squeeze %dma_start3A_89 : memref<1x8x4096xf32, #tpu.memory_space<vmem>> -> memref<8x4096xf32, #tpu.memory_space<vmem>>
    tpu.enqueue_dma source(%dma_start3A_90 : memref<8x4096xf32, #tpu.memory_space<vmem>>) target(%dma_start3A_86 : memref<8x4096xf32, #tpu.memory_space<hbm>>) target_semaphore(%arg11 : memref<!tpu.dma_semaphore, #tpu.memory_space<semaphore_mem>>)
    %dma_wait3A_91 = arith.constant 2 : i32
    %dma_wait3A_92 = arith.constant 0 : i32
    %dma_wait3A_93 = arith.constant 0 : i32
    %dma_wait3A_94 = tpu.memref_slice %arg6[%dma_wait3A_91, %dma_wait3A_92, %dma_wait3A_93] : memref<3x8x4096xf32, #tpu.memory_space<vmem>> -> memref<1x8x4096xf32, #tpu.memory_space<vmem>>
    %dma_wait3A_95 = tpu.memref_squeeze %dma_wait3A_94 : memref<1x8x4096xf32, #tpu.memory_space<vmem>> -> memref<8x4096xf32, #tpu.memory_space<vmem>>
    %dma_wait3A_96 = arith.constant 0 : i32
    %dma_wait3A_97 = arith.constant 0 : i32
    %dma_wait3A_98 = tpu.memref_slice %arg3[%dma_wait3A_96, %dma_wait3A_97] : memref<100000x4096xf32, #tpu.memory_space<hbm>> -> memref<8x4096xf32, #tpu.memory_space<hbm>>
    %dma_wait3A_99 = arith.constant 0 : i32
    %dma_wait3A_100 = arith.constant 0 : i32
    %dma_wait3A_101 = tpu.memref_slice %arg6[%dma_wait3A_91, %dma_wait3A_99, %dma_wait3A_100] : memref<3x8x4096xf32, #tpu.memory_space<vmem>> -> memref<1x8x4096xf32, #tpu.memory_space<vmem>>
    %dma_wait3A_102 = tpu.memref_squeeze %dma_wait3A_101 : memref<1x8x4096xf32, #tpu.memory_space<vmem>> -> memref<8x4096xf32, #tpu.memory_space<vmem>>
    %dma_wait3A_103 = arith.constant 0 : i32
    %dma_wait3A_104 = arith.constant 0 : i32
    %dma_wait3A_105 = tpu.memref_slice %arg3[%dma_wait3A_103, %dma_wait3A_104] : memref<100000x4096xf32, #tpu.memory_space<hbm>> -> memref<8x4096xf32, #tpu.memory_space<hbm>>
    tpu.wait_dma2 semaphore(%arg9 : memref<!tpu.dma_semaphore, #tpu.memory_space<semaphore_mem>>) src(%dma_wait3A_105 : memref<8x4096xf32, #tpu.memory_space<hbm>>) dst(%dma_wait3A_102 : memref<8x4096xf32, #tpu.memory_space<vmem>>)
    %add3A_106 = arith.constant 16 : i32
    %add3A_107 = arith.addi %mul3A_2, %add3A_106 : i32
    %dma_start3A_108 = arith.constant 2 : i32
    %dma_start3A_109 = arith.constant 0 : i32
    %dma_start3A_110 = arith.constant 0 : i32
    %dma_start3A_111 = tpu.memref_slice %arg6[%dma_start3A_108, %dma_start3A_109, %dma_start3A_110] : memref<3x8x4096xf32, #tpu.memory_space<vmem>> -> memref<1x8x4096xf32, #tpu.memory_space<vmem>>
    %dma_start3A_112 = tpu.memref_squeeze %dma_start3A_111 : memref<1x8x4096xf32, #tpu.memory_space<vmem>> -> memref<8x4096xf32, #tpu.memory_space<vmem>>
    %dma_start3A_113 = arith.constant 0 : i32
    %dma_start3A_114 = tpu.memref_slice %arg4[%add3A_107, %dma_start3A_113] : memref<16384x4096xf32, #tpu.memory_space<hbm>> -> memref<8x4096xf32, #tpu.memory_space<hbm>>
    %dma_start3A_115 = arith.constant 0 : i32
    %dma_start3A_116 = tpu.memref_slice %arg4[%add3A_107, %dma_start3A_115] : memref<16384x4096xf32, #tpu.memory_space<hbm>> -> memref<8x4096xf32, #tpu.memory_space<hbm>>
    %dma_start3A_117 = arith.constant 0 : i32
    %dma_start3A_118 = arith.constant 0 : i32
    %dma_start3A_119 = tpu.memref_slice %arg6[%dma_start3A_108, %dma_start3A_117, %dma_start3A_118] : memref<3x8x4096xf32, #tpu.memory_space<vmem>> -> memref<1x8x4096xf32, #tpu.memory_space<vmem>>
    %dma_start3A_120 = tpu.memref_squeeze %dma_start3A_119 : memref<1x8x4096xf32, #tpu.memory_space<vmem>> -> memref<8x4096xf32, #tpu.memory_space<vmem>>
    tpu.enqueue_dma source(%dma_start3A_120 : memref<8x4096xf32, #tpu.memory_space<vmem>>) target(%dma_start3A_116 : memref<8x4096xf32, #tpu.memory_space<hbm>>) target_semaphore(%arg12 : memref<!tpu.dma_semaphore, #tpu.memory_space<semaphore_mem>>)
    %dma_wait3A_121 = arith.constant 0 : i32
    %dma_wait3A_122 = arith.constant 0 : i32
    %dma_wait3A_123 = arith.constant 0 : i32
    %dma_wait3A_124 = tpu.memref_slice %arg6[%dma_wait3A_121, %dma_wait3A_122, %dma_wait3A_123] : memref<3x8x4096xf32, #tpu.memory_space<vmem>> -> memref<1x8x4096xf32, #tpu.memory_space<vmem>>
    %dma_wait3A_125 = tpu.memref_squeeze %dma_wait3A_124 : memref<1x8x4096xf32, #tpu.memory_space<vmem>> -> memref<8x4096xf32, #tpu.memory_space<vmem>>
    %dma_wait3A_126 = arith.constant 0 : i32
    %dma_wait3A_127 = arith.constant 0 : i32
    %dma_wait3A_128 = tpu.memref_slice %arg3[%dma_wait3A_126, %dma_wait3A_127] : memref<100000x4096xf32, #tpu.memory_space<hbm>> -> memref<8x4096xf32, #tpu.memory_space<hbm>>
    %dma_wait3A_129 = arith.constant 0 : i32
    %dma_wait3A_130 = arith.constant 0 : i32
    %dma_wait3A_131 = tpu.memref_slice %arg6[%dma_wait3A_121, %dma_wait3A_129, %dma_wait3A_130] : memref<3x8x4096xf32, #tpu.memory_space<vmem>> -> memref<1x8x4096xf32, #tpu.memory_space<vmem>>
    %dma_wait3A_132 = tpu.memref_squeeze %dma_wait3A_131 : memref<1x8x4096xf32, #tpu.memory_space<vmem>> -> memref<8x4096xf32, #tpu.memory_space<vmem>>
    %dma_wait3A_133 = arith.constant 0 : i32
    %dma_wait3A_134 = arith.constant 0 : i32
    %dma_wait3A_135 = tpu.memref_slice %arg3[%dma_wait3A_133, %dma_wait3A_134] : memref<100000x4096xf32, #tpu.memory_space<hbm>> -> memref<8x4096xf32, #tpu.memory_space<hbm>>
    tpu.wait_dma2 semaphore(%arg10 : memref<!tpu.dma_semaphore, #tpu.memory_space<semaphore_mem>>) src(%dma_wait3A_135 : memref<8x4096xf32, #tpu.memory_space<hbm>>) dst(%dma_wait3A_132 : memref<8x4096xf32, #tpu.memory_space<vmem>>)
    %dma_start3A_136 = arith.constant 0 : i32
    %dma_start3A_137 = arith.constant 0 : i32
    %dma_start3A_138 = arith.constant 0 : i32
    %dma_start3A_139 = tpu.memref_slice %arg6[%dma_start3A_136, %dma_start3A_137, %dma_start3A_138] : memref<3x8x4096xf32, #tpu.memory_space<vmem>> -> memref<1x8x4096xf32, #tpu.memory_space<vmem>>
    %dma_start3A_140 = tpu.memref_squeeze %dma_start3A_139 : memref<1x8x4096xf32, #tpu.memory_space<vmem>> -> memref<8x4096xf32, #tpu.memory_space<vmem>>
    %dma_start3A_141 = arith.constant 24 : i32
    %dma_start3A_142 = tpu.memref_slice %arg5[%dma_start3A_141] : memref<512xi32, #tpu.memory_space<vmem>> -> memref<8xi32, #tpu.memory_space<vmem>>
    %dma_start3A_143 = arith.constant 0 : i32
    %dma_start3A_144 = arith.constant 0 : i32
    %dma_start3A_145 = tpu.memref_slice %arg3[%dma_start3A_143, %dma_start3A_144] : memref<100000x4096xf32, #tpu.memory_space<hbm>> -> memref<100000x4096xf32, #tpu.memory_space<hbm>>
    tpu.enqueue_indirect_dma source(%dma_start3A_145 : memref<100000x4096xf32, #tpu.memory_space<hbm>>) target(%dma_start3A_140 : memref<8x4096xf32, #tpu.memory_space<vmem>>) offsets(%dma_start3A_142 : memref<8xi32, #tpu.memory_space<vmem>>) semaphore(%arg7 : memref<!tpu.dma_semaphore, #tpu.memory_space<semaphore_mem>>)
    %scan3A = arith.constant 0 : i32
    %scan3A_146 = arith.constant 1 : i32
    %scan3A_147 = arith.constant 20 : i32
    %scan3A_148 = arith.addi %scan3A_146, %scan3A_147 : i32
    %scan3A_149 = arith.constant 1 : i32
    scf.for %scan3A_226 = %scan3A_146 to %scan3A_148 step %scan3A_149  : i32 {
      %mul3A_227 = arith.constant 3 : i32
      %mul3A_228 = arith.muli %scan3A_226, %mul3A_227 : i32
      %add3A_229 = arith.constant 0 : i32
      %add3A_230 = arith.addi %mul3A_228, %add3A_229 : i32
      %dma_wait3A_231 = arith.constant 0 : i32
      %dma_wait3A_232 = arith.constant 0 : i32
      %dma_wait3A_233 = arith.constant 0 : i32
      %dma_wait3A_234 = tpu.memref_slice %arg6[%dma_wait3A_231, %dma_wait3A_232, %dma_wait3A_233] : memref<3x8x4096xf32, #tpu.memory_space<vmem>> -> memref<1x8x4096xf32, #tpu.memory_space<vmem>>
      %dma_wait3A_235 = tpu.memref_squeeze %dma_wait3A_234 : memref<1x8x4096xf32, #tpu.memory_space<vmem>> -> memref<8x4096xf32, #tpu.memory_space<vmem>>
      %dma_wait3A_236 = arith.constant 0 : i32
      %dma_wait3A_237 = arith.constant 0 : i32
      %dma_wait3A_238 = tpu.memref_slice %arg3[%dma_wait3A_236, %dma_wait3A_237] : memref<100000x4096xf32, #tpu.memory_space<hbm>> -> memref<8x4096xf32, #tpu.memory_space<hbm>>
      %dma_wait3A_239 = arith.constant 0 : i32
      %dma_wait3A_240 = arith.constant 0 : i32
      %dma_wait3A_241 = tpu.memref_slice %arg6[%dma_wait3A_231, %dma_wait3A_239, %dma_wait3A_240] : memref<3x8x4096xf32, #tpu.memory_space<vmem>> -> memref<1x8x4096xf32, #tpu.memory_space<vmem>>
      %dma_wait3A_242 = tpu.memref_squeeze %dma_wait3A_241 : memref<1x8x4096xf32, #tpu.memory_space<vmem>> -> memref<8x4096xf32, #tpu.memory_space<vmem>>
      %dma_wait3A_243 = arith.constant 0 : i32
      %dma_wait3A_244 = arith.constant 0 : i32
      %dma_wait3A_245 = tpu.memref_slice %arg3[%dma_wait3A_243, %dma_wait3A_244] : memref<100000x4096xf32, #tpu.memory_space<hbm>> -> memref<8x4096xf32, #tpu.memory_space<hbm>>
      tpu.wait_dma2 semaphore(%arg7 : memref<!tpu.dma_semaphore, #tpu.memory_space<semaphore_mem>>) src(%dma_wait3A_245 : memref<8x4096xf32, #tpu.memory_space<hbm>>) dst(%dma_wait3A_242 : memref<8x4096xf32, #tpu.memory_space<vmem>>)
      %mul3A_246 = arith.constant 8 : i32
      %mul3A_247 = arith.muli %add3A_230, %mul3A_246 : i32
      %add3A_248 = arith.addi %mul3A_2, %mul3A_247 : i32
      %dma_start3A_249 = arith.constant 0 : i32
      %dma_start3A_250 = arith.constant 0 : i32
      %dma_start3A_251 = arith.constant 0 : i32
      %dma_start3A_252 = tpu.memref_slice %arg6[%dma_start3A_249, %dma_start3A_250, %dma_start3A_251] : memref<3x8x4096xf32, #tpu.memory_space<vmem>> -> memref<1x8x4096xf32, #tpu.memory_space<vmem>>
      %dma_start3A_253 = tpu.memref_squeeze %dma_start3A_252 : memref<1x8x4096xf32, #tpu.memory_space<vmem>> -> memref<8x4096xf32, #tpu.memory_space<vmem>>
      %dma_start3A_254 = arith.constant 0 : i32
      %dma_start3A_255 = tpu.memref_slice %arg4[%add3A_248, %dma_start3A_254] : memref<16384x4096xf32, #tpu.memory_space<hbm>> -> memref<8x4096xf32, #tpu.memory_space<hbm>>
      %dma_start3A_256 = arith.constant 0 : i32
      %dma_start3A_257 = tpu.memref_slice %arg4[%add3A_248, %dma_start3A_256] : memref<16384x4096xf32, #tpu.memory_space<hbm>> -> memref<8x4096xf32, #tpu.memory_space<hbm>>
      %dma_start3A_258 = arith.constant 0 : i32
      %dma_start3A_259 = arith.constant 0 : i32
      %dma_start3A_260 = tpu.memref_slice %arg6[%dma_start3A_249, %dma_start3A_258, %dma_start3A_259] : memref<3x8x4096xf32, #tpu.memory_space<vmem>> -> memref<1x8x4096xf32, #tpu.memory_space<vmem>>
      %dma_start3A_261 = tpu.memref_squeeze %dma_start3A_260 : memref<1x8x4096xf32, #tpu.memory_space<vmem>> -> memref<8x4096xf32, #tpu.memory_space<vmem>>
      tpu.enqueue_dma source(%dma_start3A_261 : memref<8x4096xf32, #tpu.memory_space<vmem>>) target(%dma_start3A_257 : memref<8x4096xf32, #tpu.memory_space<hbm>>) target_semaphore(%arg10 : memref<!tpu.dma_semaphore, #tpu.memory_space<semaphore_mem>>)
      %dma_wait3A_262 = arith.constant 1 : i32
      %dma_wait3A_263 = arith.constant 0 : i32
      %dma_wait3A_264 = arith.constant 0 : i32
      %dma_wait3A_265 = tpu.memref_slice %arg6[%dma_wait3A_262, %dma_wait3A_263, %dma_wait3A_264] : memref<3x8x4096xf32, #tpu.memory_space<vmem>> -> memref<1x8x4096xf32, #tpu.memory_space<vmem>>
      %dma_wait3A_266 = tpu.memref_squeeze %dma_wait3A_265 : memref<1x8x4096xf32, #tpu.memory_space<vmem>> -> memref<8x4096xf32, #tpu.memory_space<vmem>>
      %dma_wait3A_267 = arith.constant 0 : i32
      %dma_wait3A_268 = arith.constant 0 : i32
      %dma_wait3A_269 = tpu.memref_slice %arg3[%dma_wait3A_267, %dma_wait3A_268] : memref<100000x4096xf32, #tpu.memory_space<hbm>> -> memref<8x4096xf32, #tpu.memory_space<hbm>>
      %dma_wait3A_270 = arith.constant 0 : i32
      %dma_wait3A_271 = arith.constant 0 : i32
      %dma_wait3A_272 = tpu.memref_slice %arg6[%dma_wait3A_262, %dma_wait3A_270, %dma_wait3A_271] : memref<3x8x4096xf32, #tpu.memory_space<vmem>> -> memref<1x8x4096xf32, #tpu.memory_space<vmem>>
      %dma_wait3A_273 = tpu.memref_squeeze %dma_wait3A_272 : memref<1x8x4096xf32, #tpu.memory_space<vmem>> -> memref<8x4096xf32, #tpu.memory_space<vmem>>
      %dma_wait3A_274 = arith.constant 0 : i32
      %dma_wait3A_275 = arith.constant 0 : i32
      %dma_wait3A_276 = tpu.memref_slice %arg3[%dma_wait3A_274, %dma_wait3A_275] : memref<100000x4096xf32, #tpu.memory_space<hbm>> -> memref<8x4096xf32, #tpu.memory_space<hbm>>
      tpu.wait_dma2 semaphore(%arg11 : memref<!tpu.dma_semaphore, #tpu.memory_space<semaphore_mem>>) src(%dma_wait3A_276 : memref<8x4096xf32, #tpu.memory_space<hbm>>) dst(%dma_wait3A_273 : memref<8x4096xf32, #tpu.memory_space<vmem>>)
      %add3A_277 = arith.constant 1 : i32
      %add3A_278 = arith.addi %add3A_230, %add3A_277 : i32
      %mul3A_279 = arith.constant 8 : i32
      %mul3A_280 = arith.muli %add3A_278, %mul3A_279 : i32
      %dma_start3A_281 = arith.constant 1 : i32
      %dma_start3A_282 = arith.constant 0 : i32
      %dma_start3A_283 = arith.constant 0 : i32
      %dma_start3A_284 = tpu.memref_slice %arg6[%dma_start3A_281, %dma_start3A_282, %dma_start3A_283] : memref<3x8x4096xf32, #tpu.memory_space<vmem>> -> memref<1x8x4096xf32, #tpu.memory_space<vmem>>
      %dma_start3A_285 = tpu.memref_squeeze %dma_start3A_284 : memref<1x8x4096xf32, #tpu.memory_space<vmem>> -> memref<8x4096xf32, #tpu.memory_space<vmem>>
      %dma_start3A_286 = tpu.memref_slice %arg5[%mul3A_280] : memref<512xi32, #tpu.memory_space<vmem>> -> memref<8xi32, #tpu.memory_space<vmem>>
      %dma_start3A_287 = arith.constant 0 : i32
      %dma_start3A_288 = arith.constant 0 : i32
      %dma_start3A_289 = tpu.memref_slice %arg3[%dma_start3A_287, %dma_start3A_288] : memref<100000x4096xf32, #tpu.memory_space<hbm>> -> memref<100000x4096xf32, #tpu.memory_space<hbm>>
      tpu.enqueue_indirect_dma source(%dma_start3A_289 : memref<100000x4096xf32, #tpu.memory_space<hbm>>) target(%dma_start3A_285 : memref<8x4096xf32, #tpu.memory_space<vmem>>) offsets(%dma_start3A_286 : memref<8xi32, #tpu.memory_space<vmem>>) semaphore(%arg8 : memref<!tpu.dma_semaphore, #tpu.memory_space<semaphore_mem>>)
      %mul3A_290 = arith.constant 3 : i32
      %mul3A_291 = arith.muli %scan3A_226, %mul3A_290 : i32
      %add3A_292 = arith.constant 1 : i32
      %add3A_293 = arith.addi %mul3A_291, %add3A_292 : i32
      %dma_wait3A_294 = arith.constant 1 : i32
      %dma_wait3A_295 = arith.constant 0 : i32
      %dma_wait3A_296 = arith.constant 0 : i32
      %dma_wait3A_297 = tpu.memref_slice %arg6[%dma_wait3A_294, %dma_wait3A_295, %dma_wait3A_296] : memref<3x8x4096xf32, #tpu.memory_space<vmem>> -> memref<1x8x4096xf32, #tpu.memory_space<vmem>>
      %dma_wait3A_298 = tpu.memref_squeeze %dma_wait3A_297 : memref<1x8x4096xf32, #tpu.memory_space<vmem>> -> memref<8x4096xf32, #tpu.memory_space<vmem>>
      %dma_wait3A_299 = arith.constant 0 : i32
      %dma_wait3A_300 = arith.constant 0 : i32
      %dma_wait3A_301 = tpu.memref_slice %arg3[%dma_wait3A_299, %dma_wait3A_300] : memref<100000x4096xf32, #tpu.memory_space<hbm>> -> memref<8x4096xf32, #tpu.memory_space<hbm>>
      %dma_wait3A_302 = arith.constant 0 : i32
      %dma_wait3A_303 = arith.constant 0 : i32
      %dma_wait3A_304 = tpu.memref_slice %arg6[%dma_wait3A_294, %dma_wait3A_302, %dma_wait3A_303] : memref<3x8x4096xf32, #tpu.memory_space<vmem>> -> memref<1x8x4096xf32, #tpu.memory_space<vmem>>
      %dma_wait3A_305 = tpu.memref_squeeze %dma_wait3A_304 : memref<1x8x4096xf32, #tpu.memory_space<vmem>> -> memref<8x4096xf32, #tpu.memory_space<vmem>>
      %dma_wait3A_306 = arith.constant 0 : i32
      %dma_wait3A_307 = arith.constant 0 : i32
      %dma_wait3A_308 = tpu.memref_slice %arg3[%dma_wait3A_306, %dma_wait3A_307] : memref<100000x4096xf32, #tpu.memory_space<hbm>> -> memref<8x4096xf32, #tpu.memory_space<hbm>>
      tpu.wait_dma2 semaphore(%arg8 : memref<!tpu.dma_semaphore, #tpu.memory_space<semaphore_mem>>) src(%dma_wait3A_308 : memref<8x4096xf32, #tpu.memory_space<hbm>>) dst(%dma_wait3A_305 : memref<8x4096xf32, #tpu.memory_space<vmem>>)
      %mul3A_309 = arith.constant 8 : i32
      %mul3A_310 = arith.muli %add3A_293, %mul3A_309 : i32
      %add3A_311 = arith.addi %mul3A_2, %mul3A_310 : i32
      %dma_start3A_312 = arith.constant 1 : i32
      %dma_start3A_313 = arith.constant 0 : i32
      %dma_start3A_314 = arith.constant 0 : i32
      %dma_start3A_315 = tpu.memref_slice %arg6[%dma_start3A_312, %dma_start3A_313, %dma_start3A_314] : memref<3x8x4096xf32, #tpu.memory_space<vmem>> -> memref<1x8x4096xf32, #tpu.memory_space<vmem>>
      %dma_start3A_316 = tpu.memref_squeeze %dma_start3A_315 : memref<1x8x4096xf32, #tpu.memory_space<vmem>> -> memref<8x4096xf32, #tpu.memory_space<vmem>>
      %dma_start3A_317 = arith.constant 0 : i32
      %dma_start3A_318 = tpu.memref_slice %arg4[%add3A_311, %dma_start3A_317] : memref<16384x4096xf32, #tpu.memory_space<hbm>> -> memref<8x4096xf32, #tpu.memory_space<hbm>>
      %dma_start3A_319 = arith.constant 0 : i32
      %dma_start3A_320 = tpu.memref_slice %arg4[%add3A_311, %dma_start3A_319] : memref<16384x4096xf32, #tpu.memory_space<hbm>> -> memref<8x4096xf32, #tpu.memory_space<hbm>>
      %dma_start3A_321 = arith.constant 0 : i32
      %dma_start3A_322 = arith.constant 0 : i32
      %dma_start3A_323 = tpu.memref_slice %arg6[%dma_start3A_312, %dma_start3A_321, %dma_start3A_322] : memref<3x8x4096xf32, #tpu.memory_space<vmem>> -> memref<1x8x4096xf32, #tpu.memory_space<vmem>>
      %dma_start3A_324 = tpu.memref_squeeze %dma_start3A_323 : memref<1x8x4096xf32, #tpu.memory_space<vmem>> -> memref<8x4096xf32, #tpu.memory_space<vmem>>
      tpu.enqueue_dma source(%dma_start3A_324 : memref<8x4096xf32, #tpu.memory_space<vmem>>) target(%dma_start3A_320 : memref<8x4096xf32, #tpu.memory_space<hbm>>) target_semaphore(%arg11 : memref<!tpu.dma_semaphore, #tpu.memory_space<semaphore_mem>>)
      %dma_wait3A_325 = arith.constant 2 : i32
      %dma_wait3A_326 = arith.constant 0 : i32
      %dma_wait3A_327 = arith.constant 0 : i32
      %dma_wait3A_328 = tpu.memref_slice %arg6[%dma_wait3A_325, %dma_wait3A_326, %dma_wait3A_327] : memref<3x8x4096xf32, #tpu.memory_space<vmem>> -> memref<1x8x4096xf32, #tpu.memory_space<vmem>>
      %dma_wait3A_329 = tpu.memref_squeeze %dma_wait3A_328 : memref<1x8x4096xf32, #tpu.memory_space<vmem>> -> memref<8x4096xf32, #tpu.memory_space<vmem>>
      %dma_wait3A_330 = arith.constant 0 : i32
      %dma_wait3A_331 = arith.constant 0 : i32
      %dma_wait3A_332 = tpu.memref_slice %arg3[%dma_wait3A_330, %dma_wait3A_331] : memref<100000x4096xf32, #tpu.memory_space<hbm>> -> memref<8x4096xf32, #tpu.memory_space<hbm>>
      %dma_wait3A_333 = arith.constant 0 : i32
      %dma_wait3A_334 = arith.constant 0 : i32
      %dma_wait3A_335 = tpu.memref_slice %arg6[%dma_wait3A_325, %dma_wait3A_333, %dma_wait3A_334] : memref<3x8x4096xf32, #tpu.memory_space<vmem>> -> memref<1x8x4096xf32, #tpu.memory_space<vmem>>
      %dma_wait3A_336 = tpu.memref_squeeze %dma_wait3A_335 : memref<1x8x4096xf32, #tpu.memory_space<vmem>> -> memref<8x4096xf32, #tpu.memory_space<vmem>>
      %dma_wait3A_337 = arith.constant 0 : i32
      %dma_wait3A_338 = arith.constant 0 : i32
      %dma_wait3A_339 = tpu.memref_slice %arg3[%dma_wait3A_337, %dma_wait3A_338] : memref<100000x4096xf32, #tpu.memory_space<hbm>> -> memref<8x4096xf32, #tpu.memory_space<hbm>>
      tpu.wait_dma2 semaphore(%arg12 : memref<!tpu.dma_semaphore, #tpu.memory_space<semaphore_mem>>) src(%dma_wait3A_339 : memref<8x4096xf32, #tpu.memory_space<hbm>>) dst(%dma_wait3A_336 : memref<8x4096xf32, #tpu.memory_space<vmem>>)
      %add3A_340 = arith.constant 1 : i32
      %add3A_341 = arith.addi %add3A_293, %add3A_340 : i32
      %mul3A_342 = arith.constant 8 : i32
      %mul3A_343 = arith.muli %add3A_341, %mul3A_342 : i32
      %dma_start3A_344 = arith.constant 2 : i32
      %dma_start3A_345 = arith.constant 0 : i32
      %dma_start3A_346 = arith.constant 0 : i32
      %dma_start3A_347 = tpu.memref_slice %arg6[%dma_start3A_344, %dma_start3A_345, %dma_start3A_346] : memref<3x8x4096xf32, #tpu.memory_space<vmem>> -> memref<1x8x4096xf32, #tpu.memory_space<vmem>>
      %dma_start3A_348 = tpu.memref_squeeze %dma_start3A_347 : memref<1x8x4096xf32, #tpu.memory_space<vmem>> -> memref<8x4096xf32, #tpu.memory_space<vmem>>
      %dma_start3A_349 = tpu.memref_slice %arg5[%mul3A_343] : memref<512xi32, #tpu.memory_space<vmem>> -> memref<8xi32, #tpu.memory_space<vmem>>
      %dma_start3A_350 = arith.constant 0 : i32
      %dma_start3A_351 = arith.constant 0 : i32
      %dma_start3A_352 = tpu.memref_slice %arg3[%dma_start3A_350, %dma_start3A_351] : memref<100000x4096xf32, #tpu.memory_space<hbm>> -> memref<100000x4096xf32, #tpu.memory_space<hbm>>
      tpu.enqueue_indirect_dma source(%dma_start3A_352 : memref<100000x4096xf32, #tpu.memory_space<hbm>>) target(%dma_start3A_348 : memref<8x4096xf32, #tpu.memory_space<vmem>>) offsets(%dma_start3A_349 : memref<8xi32, #tpu.memory_space<vmem>>) semaphore(%arg9 : memref<!tpu.dma_semaphore, #tpu.memory_space<semaphore_mem>>)
      %mul3A_353 = arith.constant 3 : i32
      %mul3A_354 = arith.muli %scan3A_226, %mul3A_353 : i32
      %add3A_355 = arith.constant 2 : i32
      %add3A_356 = arith.addi %mul3A_354, %add3A_355 : i32
      %dma_wait3A_357 = arith.constant 2 : i32
      %dma_wait3A_358 = arith.constant 0 : i32
      %dma_wait3A_359 = arith.constant 0 : i32
      %dma_wait3A_360 = tpu.memref_slice %arg6[%dma_wait3A_357, %dma_wait3A_358, %dma_wait3A_359] : memref<3x8x4096xf32, #tpu.memory_space<vmem>> -> memref<1x8x4096xf32, #tpu.memory_space<vmem>>
      %dma_wait3A_361 = tpu.memref_squeeze %dma_wait3A_360 : memref<1x8x4096xf32, #tpu.memory_space<vmem>> -> memref<8x4096xf32, #tpu.memory_space<vmem>>
      %dma_wait3A_362 = arith.constant 0 : i32
      %dma_wait3A_363 = arith.constant 0 : i32
      %dma_wait3A_364 = tpu.memref_slice %arg3[%dma_wait3A_362, %dma_wait3A_363] : memref<100000x4096xf32, #tpu.memory_space<hbm>> -> memref<8x4096xf32, #tpu.memory_space<hbm>>
      %dma_wait3A_365 = arith.constant 0 : i32
      %dma_wait3A_366 = arith.constant 0 : i32
      %dma_wait3A_367 = tpu.memref_slice %arg6[%dma_wait3A_357, %dma_wait3A_365, %dma_wait3A_366] : memref<3x8x4096xf32, #tpu.memory_space<vmem>> -> memref<1x8x4096xf32, #tpu.memory_space<vmem>>
      %dma_wait3A_368 = tpu.memref_squeeze %dma_wait3A_367 : memref<1x8x4096xf32, #tpu.memory_space<vmem>> -> memref<8x4096xf32, #tpu.memory_space<vmem>>
      %dma_wait3A_369 = arith.constant 0 : i32
      %dma_wait3A_370 = arith.constant 0 : i32
      %dma_wait3A_371 = tpu.memref_slice %arg3[%dma_wait3A_369, %dma_wait3A_370] : memref<100000x4096xf32, #tpu.memory_space<hbm>> -> memref<8x4096xf32, #tpu.memory_space<hbm>>
      tpu.wait_dma2 semaphore(%arg9 : memref<!tpu.dma_semaphore, #tpu.memory_space<semaphore_mem>>) src(%dma_wait3A_371 : memref<8x4096xf32, #tpu.memory_space<hbm>>) dst(%dma_wait3A_368 : memref<8x4096xf32, #tpu.memory_space<vmem>>)
      %mul3A_372 = arith.constant 8 : i32
      %mul3A_373 = arith.muli %add3A_356, %mul3A_372 : i32
      %add3A_374 = arith.addi %mul3A_2, %mul3A_373 : i32
      %dma_start3A_375 = arith.constant 2 : i32
      %dma_start3A_376 = arith.constant 0 : i32
      %dma_start3A_377 = arith.constant 0 : i32
      %dma_start3A_378 = tpu.memref_slice %arg6[%dma_start3A_375, %dma_start3A_376, %dma_start3A_377] : memref<3x8x4096xf32, #tpu.memory_space<vmem>> -> memref<1x8x4096xf32, #tpu.memory_space<vmem>>
      %dma_start3A_379 = tpu.memref_squeeze %dma_start3A_378 : memref<1x8x4096xf32, #tpu.memory_space<vmem>> -> memref<8x4096xf32, #tpu.memory_space<vmem>>
      %dma_start3A_380 = arith.constant 0 : i32
      %dma_start3A_381 = tpu.memref_slice %arg4[%add3A_374, %dma_start3A_380] : memref<16384x4096xf32, #tpu.memory_space<hbm>> -> memref<8x4096xf32, #tpu.memory_space<hbm>>
      %dma_start3A_382 = arith.constant 0 : i32
      %dma_start3A_383 = tpu.memref_slice %arg4[%add3A_374, %dma_start3A_382] : memref<16384x4096xf32, #tpu.memory_space<hbm>> -> memref<8x4096xf32, #tpu.memory_space<hbm>>
      %dma_start3A_384 = arith.constant 0 : i32
      %dma_start3A_385 = arith.constant 0 : i32
      %dma_start3A_386 = tpu.memref_slice %arg6[%dma_start3A_375, %dma_start3A_384, %dma_start3A_385] : memref<3x8x4096xf32, #tpu.memory_space<vmem>> -> memref<1x8x4096xf32, #tpu.memory_space<vmem>>
      %dma_start3A_387 = tpu.memref_squeeze %dma_start3A_386 : memref<1x8x4096xf32, #tpu.memory_space<vmem>> -> memref<8x4096xf32, #tpu.memory_space<vmem>>
      tpu.enqueue_dma source(%dma_start3A_387 : memref<8x4096xf32, #tpu.memory_space<vmem>>) target(%dma_start3A_383 : memref<8x4096xf32, #tpu.memory_space<hbm>>) target_semaphore(%arg12 : memref<!tpu.dma_semaphore, #tpu.memory_space<semaphore_mem>>)
      %dma_wait3A_388 = arith.constant 0 : i32
      %dma_wait3A_389 = arith.constant 0 : i32
      %dma_wait3A_390 = arith.constant 0 : i32
      %dma_wait3A_391 = tpu.memref_slice %arg6[%dma_wait3A_388, %dma_wait3A_389, %dma_wait3A_390] : memref<3x8x4096xf32, #tpu.memory_space<vmem>> -> memref<1x8x4096xf32, #tpu.memory_space<vmem>>
      %dma_wait3A_392 = tpu.memref_squeeze %dma_wait3A_391 : memref<1x8x4096xf32, #tpu.memory_space<vmem>> -> memref<8x4096xf32, #tpu.memory_space<vmem>>
      %dma_wait3A_393 = arith.constant 0 : i32
      %dma_wait3A_394 = arith.constant 0 : i32
      %dma_wait3A_395 = tpu.memref_slice %arg3[%dma_wait3A_393, %dma_wait3A_394] : memref<100000x4096xf32, #tpu.memory_space<hbm>> -> memref<8x4096xf32, #tpu.memory_space<hbm>>
      %dma_wait3A_396 = arith.constant 0 : i32
      %dma_wait3A_397 = arith.constant 0 : i32
      %dma_wait3A_398 = tpu.memref_slice %arg6[%dma_wait3A_388, %dma_wait3A_396, %dma_wait3A_397] : memref<3x8x4096xf32, #tpu.memory_space<vmem>> -> memref<1x8x4096xf32, #tpu.memory_space<vmem>>
      %dma_wait3A_399 = tpu.memref_squeeze %dma_wait3A_398 : memref<1x8x4096xf32, #tpu.memory_space<vmem>> -> memref<8x4096xf32, #tpu.memory_space<vmem>>
      %dma_wait3A_400 = arith.constant 0 : i32
      %dma_wait3A_401 = arith.constant 0 : i32
      %dma_wait3A_402 = tpu.memref_slice %arg3[%dma_wait3A_400, %dma_wait3A_401] : memref<100000x4096xf32, #tpu.memory_space<hbm>> -> memref<8x4096xf32, #tpu.memory_space<hbm>>
      tpu.wait_dma2 semaphore(%arg10 : memref<!tpu.dma_semaphore, #tpu.memory_space<semaphore_mem>>) src(%dma_wait3A_402 : memref<8x4096xf32, #tpu.memory_space<hbm>>) dst(%dma_wait3A_399 : memref<8x4096xf32, #tpu.memory_space<vmem>>)
      %add3A_403 = arith.constant 1 : i32
      %add3A_404 = arith.addi %add3A_356, %add3A_403 : i32
      %mul3A_405 = arith.constant 8 : i32
      %mul3A_406 = arith.muli %add3A_404, %mul3A_405 : i32
      %dma_start3A_407 = arith.constant 0 : i32
      %dma_start3A_408 = arith.constant 0 : i32
      %dma_start3A_409 = arith.constant 0 : i32
      %dma_start3A_410 = tpu.memref_slice %arg6[%dma_start3A_407, %dma_start3A_408, %dma_start3A_409] : memref<3x8x4096xf32, #tpu.memory_space<vmem>> -> memref<1x8x4096xf32, #tpu.memory_space<vmem>>
      %dma_start3A_411 = tpu.memref_squeeze %dma_start3A_410 : memref<1x8x4096xf32, #tpu.memory_space<vmem>> -> memref<8x4096xf32, #tpu.memory_space<vmem>>
      %dma_start3A_412 = tpu.memref_slice %arg5[%mul3A_406] : memref<512xi32, #tpu.memory_space<vmem>> -> memref<8xi32, #tpu.memory_space<vmem>>
      %dma_start3A_413 = arith.constant 0 : i32
      %dma_start3A_414 = arith.constant 0 : i32
      %dma_start3A_415 = tpu.memref_slice %arg3[%dma_start3A_413, %dma_start3A_414] : memref<100000x4096xf32, #tpu.memory_space<hbm>> -> memref<100000x4096xf32, #tpu.memory_space<hbm>>
      tpu.enqueue_indirect_dma source(%dma_start3A_415 : memref<100000x4096xf32, #tpu.memory_space<hbm>>) target(%dma_start3A_411 : memref<8x4096xf32, #tpu.memory_space<vmem>>) offsets(%dma_start3A_412 : memref<8xi32, #tpu.memory_space<vmem>>) semaphore(%arg7 : memref<!tpu.dma_semaphore, #tpu.memory_space<semaphore_mem>>)
    }
    %scan3A_150 = arith.constant 20 : i32
    %dma_wait3A_151 = arith.constant 0 : i32
    %dma_wait3A_152 = arith.constant 0 : i32
    %dma_wait3A_153 = arith.constant 0 : i32
    %dma_wait3A_154 = tpu.memref_slice %arg6[%dma_wait3A_151, %dma_wait3A_152, %dma_wait3A_153] : memref<3x8x4096xf32, #tpu.memory_space<vmem>> -> memref<1x8x4096xf32, #tpu.memory_space<vmem>>
    %dma_wait3A_155 = tpu.memref_squeeze %dma_wait3A_154 : memref<1x8x4096xf32, #tpu.memory_space<vmem>> -> memref<8x4096xf32, #tpu.memory_space<vmem>>
    %dma_wait3A_156 = arith.constant 0 : i32
    %dma_wait3A_157 = arith.constant 0 : i32
    %dma_wait3A_158 = tpu.memref_slice %arg3[%dma_wait3A_156, %dma_wait3A_157] : memref<100000x4096xf32, #tpu.memory_space<hbm>> -> memref<8x4096xf32, #tpu.memory_space<hbm>>
    %dma_wait3A_159 = arith.constant 0 : i32
    %dma_wait3A_160 = arith.constant 0 : i32
    %dma_wait3A_161 = tpu.memref_slice %arg6[%dma_wait3A_151, %dma_wait3A_159, %dma_wait3A_160] : memref<3x8x4096xf32, #tpu.memory_space<vmem>> -> memref<1x8x4096xf32, #tpu.memory_space<vmem>>
    %dma_wait3A_162 = tpu.memref_squeeze %dma_wait3A_161 : memref<1x8x4096xf32, #tpu.memory_space<vmem>> -> memref<8x4096xf32, #tpu.memory_space<vmem>>
    %dma_wait3A_163 = arith.constant 0 : i32
    %dma_wait3A_164 = arith.constant 0 : i32
    %dma_wait3A_165 = tpu.memref_slice %arg3[%dma_wait3A_163, %dma_wait3A_164] : memref<100000x4096xf32, #tpu.memory_space<hbm>> -> memref<8x4096xf32, #tpu.memory_space<hbm>>
    tpu.wait_dma2 semaphore(%arg7 : memref<!tpu.dma_semaphore, #tpu.memory_space<semaphore_mem>>) src(%dma_wait3A_165 : memref<8x4096xf32, #tpu.memory_space<hbm>>) dst(%dma_wait3A_162 : memref<8x4096xf32, #tpu.memory_space<vmem>>)
    %add3A_166 = arith.constant 504 : i32
    %add3A_167 = arith.addi %mul3A_2, %add3A_166 : i32
    %dma_start3A_168 = arith.constant 0 : i32
    %dma_start3A_169 = arith.constant 0 : i32
    %dma_start3A_170 = arith.constant 0 : i32
    %dma_start3A_171 = tpu.memref_slice %arg6[%dma_start3A_168, %dma_start3A_169, %dma_start3A_170] : memref<3x8x4096xf32, #tpu.memory_space<vmem>> -> memref<1x8x4096xf32, #tpu.memory_space<vmem>>
    %dma_start3A_172 = tpu.memref_squeeze %dma_start3A_171 : memref<1x8x4096xf32, #tpu.memory_space<vmem>> -> memref<8x4096xf32, #tpu.memory_space<vmem>>
    %dma_start3A_173 = arith.constant 0 : i32
    %dma_start3A_174 = tpu.memref_slice %arg4[%add3A_167, %dma_start3A_173] : memref<16384x4096xf32, #tpu.memory_space<hbm>> -> memref<8x4096xf32, #tpu.memory_space<hbm>>
    %dma_start3A_175 = arith.constant 0 : i32
    %dma_start3A_176 = tpu.memref_slice %arg4[%add3A_167, %dma_start3A_175] : memref<16384x4096xf32, #tpu.memory_space<hbm>> -> memref<8x4096xf32, #tpu.memory_space<hbm>>
    %dma_start3A_177 = arith.constant 0 : i32
    %dma_start3A_178 = arith.constant 0 : i32
    %dma_start3A_179 = tpu.memref_slice %arg6[%dma_start3A_168, %dma_start3A_177, %dma_start3A_178] : memref<3x8x4096xf32, #tpu.memory_space<vmem>> -> memref<1x8x4096xf32, #tpu.memory_space<vmem>>
    %dma_start3A_180 = tpu.memref_squeeze %dma_start3A_179 : memref<1x8x4096xf32, #tpu.memory_space<vmem>> -> memref<8x4096xf32, #tpu.memory_space<vmem>>
    tpu.enqueue_dma source(%dma_start3A_180 : memref<8x4096xf32, #tpu.memory_space<vmem>>) target(%dma_start3A_176 : memref<8x4096xf32, #tpu.memory_space<hbm>>) target_semaphore(%arg10 : memref<!tpu.dma_semaphore, #tpu.memory_space<semaphore_mem>>)
    %dma_wait3A_181 = arith.constant 1 : i32
    %dma_wait3A_182 = arith.constant 0 : i32
    %dma_wait3A_183 = arith.constant 0 : i32
    %dma_wait3A_184 = tpu.memref_slice %arg6[%dma_wait3A_181, %dma_wait3A_182, %dma_wait3A_183] : memref<3x8x4096xf32, #tpu.memory_space<vmem>> -> memref<1x8x4096xf32, #tpu.memory_space<vmem>>
    %dma_wait3A_185 = tpu.memref_squeeze %dma_wait3A_184 : memref<1x8x4096xf32, #tpu.memory_space<vmem>> -> memref<8x4096xf32, #tpu.memory_space<vmem>>
    %dma_wait3A_186 = arith.constant 0 : i32
    %dma_wait3A_187 = arith.constant 0 : i32
    %dma_wait3A_188 = tpu.memref_slice %arg3[%dma_wait3A_186, %dma_wait3A_187] : memref<100000x4096xf32, #tpu.memory_space<hbm>> -> memref<8x4096xf32, #tpu.memory_space<hbm>>
    %dma_wait3A_189 = arith.constant 0 : i32
    %dma_wait3A_190 = arith.constant 0 : i32
    %dma_wait3A_191 = tpu.memref_slice %arg6[%dma_wait3A_181, %dma_wait3A_189, %dma_wait3A_190] : memref<3x8x4096xf32, #tpu.memory_space<vmem>> -> memref<1x8x4096xf32, #tpu.memory_space<vmem>>
    %dma_wait3A_192 = tpu.memref_squeeze %dma_wait3A_191 : memref<1x8x4096xf32, #tpu.memory_space<vmem>> -> memref<8x4096xf32, #tpu.memory_space<vmem>>
    %dma_wait3A_193 = arith.constant 0 : i32
    %dma_wait3A_194 = arith.constant 0 : i32
    %dma_wait3A_195 = tpu.memref_slice %arg3[%dma_wait3A_193, %dma_wait3A_194] : memref<100000x4096xf32, #tpu.memory_space<hbm>> -> memref<8x4096xf32, #tpu.memory_space<hbm>>
    tpu.wait_dma2 semaphore(%arg11 : memref<!tpu.dma_semaphore, #tpu.memory_space<semaphore_mem>>) src(%dma_wait3A_195 : memref<8x4096xf32, #tpu.memory_space<hbm>>) dst(%dma_wait3A_192 : memref<8x4096xf32, #tpu.memory_space<vmem>>)
    %dma_wait3A_196 = arith.constant 2 : i32
    %dma_wait3A_197 = arith.constant 0 : i32
    %dma_wait3A_198 = arith.constant 0 : i32
    %dma_wait3A_199 = tpu.memref_slice %arg6[%dma_wait3A_196, %dma_wait3A_197, %dma_wait3A_198] : memref<3x8x4096xf32, #tpu.memory_space<vmem>> -> memref<1x8x4096xf32, #tpu.memory_space<vmem>>
    %dma_wait3A_200 = tpu.memref_squeeze %dma_wait3A_199 : memref<1x8x4096xf32, #tpu.memory_space<vmem>> -> memref<8x4096xf32, #tpu.memory_space<vmem>>
    %dma_wait3A_201 = arith.constant 0 : i32
    %dma_wait3A_202 = arith.constant 0 : i32
    %dma_wait3A_203 = tpu.memref_slice %arg3[%dma_wait3A_201, %dma_wait3A_202] : memref<100000x4096xf32, #tpu.memory_space<hbm>> -> memref<8x4096xf32, #tpu.memory_space<hbm>>
    %dma_wait3A_204 = arith.constant 0 : i32
    %dma_wait3A_205 = arith.constant 0 : i32
    %dma_wait3A_206 = tpu.memref_slice %arg6[%dma_wait3A_196, %dma_wait3A_204, %dma_wait3A_205] : memref<3x8x4096xf32, #tpu.memory_space<vmem>> -> memref<1x8x4096xf32, #tpu.memory_space<vmem>>
    %dma_wait3A_207 = tpu.memref_squeeze %dma_wait3A_206 : memref<1x8x4096xf32, #tpu.memory_space<vmem>> -> memref<8x4096xf32, #tpu.memory_space<vmem>>
    %dma_wait3A_208 = arith.constant 0 : i32
    %dma_wait3A_209 = arith.constant 0 : i32
    %dma_wait3A_210 = tpu.memref_slice %arg3[%dma_wait3A_208, %dma_wait3A_209] : memref<100000x4096xf32, #tpu.memory_space<hbm>> -> memref<8x4096xf32, #tpu.memory_space<hbm>>
    tpu.wait_dma2 semaphore(%arg12 : memref<!tpu.dma_semaphore, #tpu.memory_space<semaphore_mem>>) src(%dma_wait3A_210 : memref<8x4096xf32, #tpu.memory_space<hbm>>) dst(%dma_wait3A_207 : memref<8x4096xf32, #tpu.memory_space<vmem>>)
    %dma_wait3A_211 = arith.constant 0 : i32
    %dma_wait3A_212 = arith.constant 0 : i32
    %dma_wait3A_213 = arith.constant 0 : i32
    %dma_wait3A_214 = tpu.memref_slice %arg6[%dma_wait3A_211, %dma_wait3A_212, %dma_wait3A_213] : memref<3x8x4096xf32, #tpu.memory_space<vmem>> -> memref<1x8x4096xf32, #tpu.memory_space<vmem>>
    %dma_wait3A_215 = tpu.memref_squeeze %dma_wait3A_214 : memref<1x8x4096xf32, #tpu.memory_space<vmem>> -> memref<8x4096xf32, #tpu.memory_space<vmem>>
    %dma_wait3A_216 = arith.constant 0 : i32
    %dma_wait3A_217 = arith.constant 0 : i32
    %dma_wait3A_218 = tpu.memref_slice %arg3[%dma_wait3A_216, %dma_wait3A_217] : memref<100000x4096xf32, #tpu.memory_space<hbm>> -> memref<8x4096xf32, #tpu.memory_space<hbm>>
    %dma_wait3A_219 = arith.constant 0 : i32
    %dma_wait3A_220 = arith.constant 0 : i32
    %dma_wait3A_221 = tpu.memref_slice %arg6[%dma_wait3A_211, %dma_wait3A_219, %dma_wait3A_220] : memref<3x8x4096xf32, #tpu.memory_space<vmem>> -> memref<1x8x4096xf32, #tpu.memory_space<vmem>>
    %dma_wait3A_222 = tpu.memref_squeeze %dma_wait3A_221 : memref<1x8x4096xf32, #tpu.memory_space<vmem>> -> memref<8x4096xf32, #tpu.memory_space<vmem>>
    %dma_wait3A_223 = arith.constant 0 : i32
    %dma_wait3A_224 = arith.constant 0 : i32
    %dma_wait3A_225 = tpu.memref_slice %arg3[%dma_wait3A_223, %dma_wait3A_224] : memref<100000x4096xf32, #tpu.memory_space<hbm>> -> memref<8x4096xf32, #tpu.memory_space<hbm>>
    tpu.wait_dma2 semaphore(%arg10 : memref<!tpu.dma_semaphore, #tpu.memory_space<semaphore_mem>>) src(%dma_wait3A_225 : memref<8x4096xf32, #tpu.memory_space<hbm>>) dst(%dma_wait3A_222 : memref<8x4096xf32, #tpu.memory_space<vmem>>)
    return
  }
}

</mosaic_0001>

<sc_bundles>
// kernel: kernel.3.cloned.1.call-start
scs
__scs_entry_jumppad:
0x0: {  	(pc) =	sbr.rel $0x88, $3  }
0x1: {  	(tag) =	ssettag $0x0;
	lr =	simm.s32 $0x1  }
0x2: {  	[smem:$0x3F9F] =	sst lr;
	_ =	strace $0xD0000000  }
0x3: {  	_ = 	snop  }
0x4: {  	_ = 	snop  }
0x5: {  	_ = 	snop  }
0x6: {  	_ = 	snop  }
0x7: {  	_ = 	snop  }
__scs_overlays_trampoline_lowered:
0x8: {  	[smem:$0x3FAE] =	sst s0  }
0x9: {  	[smem:$0x3FAF] =	sst s1  }
0xa: {  	[smem:$0x3FB0] =	sst s2  }
0xb: {  	[smem:$0x3FB1] =	sst s3  }
0xc: {  	[smem:$0x3FB2] =	sst s4  }
0xd: {  	[smem:$0x3FB3] =	sst s5  }
0xe: {  	[smem:$0x3FB4] =	sst s6  }
0xf: {  	[smem:$0x3FB5] =	sst s7  }
0x10: {  	[smem:$0x3FB6] =	sst s8  }
0x11: {  	[smem:$0x3FB7] =	sst s9;
	s0 =	simm.s32 @!p0 $0x0  }
0x12: {  	s1 =	sld [smem:$0x3F9D];
	s0 =	simm.s32 @p0 $0x1  }
0x13: {  	[smem:$0x3FB8] =	sst s0;
	s0 =	simm.s32 @!p1 $0x0  }
0x14: {  	s2 =	sld [smem:$0x3F9C];
	s0 =	simm.s32 @p1 $0x1  }
0x15: {  	[smem:$0x3FB9] =	sst s0;
	s0 =	simm.s32 @!p2 $0x0  }
0x16: {  	s3 =	sld [smem:$0x3FDB];
	s0 =	simm.s32 @p2 $0x1  }
0x17: {  	s4 =	simm.s32 $0x1BF5;
	[smem:$0x3FBB] =	sst s0  }
0x18: {  	s0 =	sld [smem:$0x3F9E];
	_ =	swait.ge [sflag:s4], $0x0  }
0x19: {  	s7 =	sld [smem:$0x3F9F]  }
0x1a: {  	s8 =	sadd.s32 $0xFFFFE003, lr  }
0x1b: {  	s9 =	sadd.s32 $0xFFFFFEF7, lr;
	s5 =	simm.s32 $0xFFFFFFFF;
	p2 =	slt.u32 s8, $0xFFFFF086  }
0x1c: {  	p1 =	slt.u32 s9, $0xF7A;
	s5 =	simm.s32 @!p2 $0x0  }
0x1d: {  	s5 =	simm.s32 @p1 $0x1;
	p0 =	seq.s32 s7, s2  }
0x1e: {  	s7 =	smul.u32 @!p0 $0xF7A, s2;
	p2 =	seq.s32 @!p0 s5, $0x0  }
0x1f: {  	s9 =	smul.u32 $0xF7A, s1;
	s8 =	simm.s32 @!p0 $0x1BF5;
	p2 =	por !p2, p0  }
0x20: {  	[sflag:s8] =	ssyncset.s32 @!p0 $0xFFFFF086;
	s6 =	sadd.s32 @!p0 s3, s7;
	s7 =	simm.s32 @!p0 $0x108  }
0x21: {  	s3 =	sadd.s32 s3, s9;
	s6 =	sadd.s32 @!p0 $0x88, s6;
	s7 =	simm.s32 @p2 $0x1082  }
0x22: {  	[simem:s7], [sflag:s8] =	dma.local @!p0 [hbm:s6], $0xF7A  }
0x23: {  	s9 =	sor.u32 $0xD0000000, s2;
	s6 =	simm.s32 $0x108;
	_ =	swait.ge @!p0 [sflag:s8], $0x0  }
0x24: {  	s3 =	sadd.s32 $0x88, s3;
	s6 =	simm.s32 @!p1 $0x1082;
	[sflag:s4] =	ssyncset.s32 $0xFFFFF086  }
0x25: {  	[simem:s6], [sflag:s4] =	dma.local [hbm:s3], $0xF7A  }
0x26: {  	[smem:$0x3F9F] =	sst s1;
	(tag) =	ssettag s2;
	_ =	strace s9  }
0x27: {  	s1 =	sld [smem:$0x3FAF]  }
0x28: {  	s2 =	sld [smem:$0x3FB0]  }
0x29: {  	s4 =	sld [smem:$0x3FB2]  }
0x2a: {  	p0 =	seq.s32 s5, $0x0;
	s5 =	sld [smem:$0x3FB3]  }
0x2b: {  	s6 =	sld [smem:$0x3FB4]  }
0x2c: {  	s7 =	sld [smem:$0x3FB5]  }
0x2d: {  	s3 =	simm.s32 $0x108;
	s8 =	sld [smem:$0x3FB6]  }
0x2e: {  	s3 =	simm.s32 @!p0 $0x1082;
	s9 =	sld [smem:$0x3FB7]  }
0x2f: {  	lr =	sadd.s32 s0, s3;
	s0 =	sld [smem:$0x3FAE]  }
0x30: {  	s3 =	sld [smem:$0x3FB1]  }
0x31: {  	[smem:$0x3FBA] =	sst s10  }
0x32: {  	s10 =	sld [smem:$0x3FB8];
	_ =	sdelay $0x3  }
0x33: {  	p0 =	seq.s32 s10, $0x1;
	s10 =	sld [smem:$0x3FBA];
	_ =	sdelay $0x3  }
0x34: {  	[smem:$0x3FBA] =	sst s10  }
0x35: {  	s10 =	sld [smem:$0x3FB9];
	_ =	sdelay $0x3  }
0x36: {  	p1 =	seq.s32 s10, $0x1;
	s10 =	sld [smem:$0x3FBA];
	_ =	sdelay $0x3  }
0x37: {  	[smem:$0x3FBA] =	sst s10  }
0x38: {  	s10 =	sld [smem:$0x3FBB]  }
0x39: {  	_ = 	snop;
	(pc) =	sbr.ind lr, $3  }
0x3a: {  	_ = 	snop  }
0x3b: {  	_ = 	snop  }
0x3c: {  	p2 =	seq.s32 s10, $0x1;
	s10 =	sld [smem:$0x3FBA]  }
0x3d: {  	_ =	shalt  }
0x3e: {  	_ =	shalt  }
0x3f: {  	_ =	shalt  }
0x40: {  	_ =	shalt  }
0x41: {  	_ =	shalt  }
0x42: {  	_ =	shalt  }
0x43: {  	_ =	shalt  }
0x44: {  	_ =	shalt  }
0x45: {  	_ =	shalt  }
0x46: {  	_ =	shalt  }
0x47: {  	_ =	shalt  }
0x48: {  	_ =	shalt  }
0x49: {  	_ =	shalt  }
0x4a: {  	_ =	shalt  }
0x4b: {  	_ =	shalt  }
0x4c: {  	_ =	shalt  }
0x4d: {  	_ =	shalt  }
0x4e: {  	_ =	shalt  }
0x4f: {  	_ =	shalt  }
0x50: {  	_ =	shalt  }
0x51: {  	_ =	shalt  }
0x52: {  	_ =	shalt  }
0x53: {  	_ =	shalt  }
0x54: {  	_ =	shalt  }
0x55: {  	_ =	shalt  }
0x56: {  	_ =	shalt  }
0x57: {  	_ =	shalt  }
0x58: {  	_ =	shalt  }
0x59: {  	_ =	shalt  }
0x5a: {  	_ =	shalt  }
0x5b: {  	_ =	shalt  }
0x5c: {  	_ =	shalt  }
0x5d: {  	_ =	shalt  }
0x5e: {  	_ =	shalt  }
0x5f: {  	_ =	shalt  }
0x60: {  	_ =	shalt  }
0x61: {  	_ =	shalt  }
0x62: {  	_ =	shalt  }
0x63: {  	_ =	shalt  }
0x64: {  	_ =	shalt  }
0x65: {  	_ =	shalt  }
0x66: {  	_ =	shalt  }
0x67: {  	_ =	shalt  }
0x68: {  	_ =	shalt  }
0x69: {  	_ =	shalt  }
0x6a: {  	_ =	shalt  }
0x6b: {  	_ =	shalt  }
0x6c: {  	_ =	shalt  }
0x6d: {  	_ =	shalt  }
0x6e: {  	_ =	shalt  }
0x6f: {  	_ =	shalt  }
0x70: {  	_ =	shalt  }
0x71: {  	_ =	shalt  }
0x72: {  	_ =	shalt  }
0x73: {  	_ =	shalt  }
0x74: {  	_ =	shalt  }
0x75: {  	_ =	shalt  }
0x76: {  	_ =	shalt  }
0x77: {  	_ =	shalt  }
0x78: {  	_ =	shalt  }
0x79: {  	_ =	shalt  }
0x7a: {  	_ =	shalt  }
0x7b: {  	_ =	shalt  }
0x7c: {  	_ =	shalt  }
0x7d: {  	_ =	shalt  }
0x7e: {  	_ =	shalt  }
0x7f: {  	_ =	shalt  }
0x80: {  	_ =	shalt  }
0x81: {  	_ =	shalt  }
0x82: {  	_ =	shalt  }
0x83: {  	_ =	shalt  }
0x84: {  	_ =	shalt  }
0x85: {  	_ =	shalt  }
0x86: {  	_ =	shalt  }
0x87: {  	_ =	shalt  }
.Lfunc_end0:
.L_simem_size_0:
called_computation_lowered:
.L_overlay_start_0:
0x88: {  	s2 =	sld [smem:$0x3FD9]  }
0x89: {  	s3 =	sld [smem:$0x3FFE];
	_ =	sdelay $0x1  }
0x8a: {  	s1 =	srdreg.scid  }
0x8b: {  	s0 =	sand.u32 $0x1, s1  }
0x8c: {  	s17 =	sshll.u32 s0, $0xA;
	s2 =	sadd.s32 s3, s2  }
0x8d: {  	s2 =	sadd.s32 s2, s17  }
0x8e: {  	[smem:$0x3FC6] =	sst s2  }
0x8f: {  	_ = 	snop  }
0x90: {  	s2 =	sld [smem:$0x3FC8]  }
0x91: {  	s18 =	sld [smem:$0x3FD0];
	(tm) =	ssettm $0x1  }
0x92: {  	s4 =	sld [smem:$0x3FFB];
	_ =	sdelay $0x3  }
0x93: {  	_ =	strace s4  }
0x94: {  	s4 =	sld [smem:$0x3FFC];
	_ =	sdelay $0x3  }
0x95: {  	_ =	strace s4  }
0x96: {  	s4 =	sld [smem:$0x3FFD];
	_ =	sdelay $0x3  }
0x97: {  	_ =	strace s4  }
0x98: {  	_ =	strace $0x8FFFFFFF  }
0x99: {  	s19 =	sld [smem:$0x3FDB];
	_ =	sdelay $0x1  }
0x9a: {  	s5 =	simm.s32 $_scs_section_size  }
0x9b: {  	s6 =	simm.s32 $_size__tile_overlayer_lowered;
	s7 =	simm.s32 $_tile_overlayer_lowered  }
0x9c: {  	s22 =	simm.s32 $0x1BFF;
	s21 =	sshll.u32 s7, $0x1;
	s4 =	sadd.s32 s5, s19  }
0x9d: {  	s8 =	simm.s32 $0x0;
	s20 =	sshll.u32 s6, $0x1;
	s6 =	sadd.s32 s21, s4  }
0x9e: {  	[timem:s8], [sflag:s22] =	dma.local [hbm:s6], s20  }
0x9f: {  	_ =	swait.ge [sflag:s22], s20  }
0xa0: {  	s5 =	ssub.s32 $0x0, s20;
	[sflag:s22] =	ssyncset.done $0x0  }
0xa1: {  	[sflag:s22] =	ssyncadd.s32 s5;
	_ =	sdelay $0x1  }
0xa2: {  	s23 =	simm.s32 $0x1B8B  }
0xa3: {  	_ =	swait.ge [sflag:s23], $0x1  }
0xa4: {  	[sflag:s23] =	ssyncset.done $0x0  }
0xa5: {  	s25 =	simm.s32 $0x1B8E;
	s24 =	sld [smem:$0x3FFE];
	[sflag:s23] =	ssyncadd.s32 $0xFFFFFFFF  }
0xa6: {  	s26 =	simm.s32 $execute0_lowered;
	[smem:$0x3FD2] =	sst s25  }
0xa7: {  	s6 =	sshll.u32 s26, $0x1;
	_ =	strace $0x80000046;
	[dreg:$0x1] =	wrdreg $0xFFFFFFFF  }
0xa8: {  	s28 =	simm.s32 $_size_execute0_lowered;
	s4 =	sadd.s32 s4, s6;
	[dreg:$0x0] =	wrdreg $0x0  }
0xa9: {  	s6 =	sshll.u32 s28, $0x1;
	[dreg:$0x2] =	wrdreg s4  }
0xaa: {  	[dreg:$0x3] =	wrdreg s6  }
0xab: {  	[dreg:$0x4] =	wrdreg $0xC0  }
0xac: {  	_ =	task [dreg:s8], $0x5FFFF  }
0xad: {  	[dreg:$0x1] =	wrdreg $0xFFFFFFFF  }
0xae: {  	[dreg:$0x0] =	wrdreg $0x60  }
0xaf: {  	[dreg:$0x2] =	wrdreg s24  }
0xb0: {  	[dreg:$0x3] =	wrdreg s2  }
0xb1: {  	[dreg:$0x4] =	wrdreg s18  }
0xb2: {  	[dreg:$0x5] =	wrdreg $0x9  }
0xb3: {  	_ =	task.clear_ibuf [dreg:s8], $0x6FFFF;
	_ =	strace $0x90000046  }
0xb4: {  	s29 =	simm.s32 $0x9;
	_ =	strace $0x80000048  }
0xb5: {  	_ =	swait.ge [sflag:s29], $0x1  }
0xb6: {  	[sflag:s29] =	ssyncadd.s32 $0xFFFFFFFF  }
0xb7: {  	_ =	strace $0x90000048  }
0xb8: {  	_ =	sfence  }
0xb9: {  	s30 =	sld [smem:$0x0];
	_ =	sdelay $0x2  }
0xba: {  	s31 =	sshll.u32 s1, $0xD;
	s1 =	sshrl.u32 s1, $0x2  }
0xbb: {  	s3 =	sand.u32 $0x4000, s31;
	s1 =	sadd.s32 s1, s30  }
0xbc: {  	s0 =	sor.u32 s3, s0;
	s1 =	sshll.u32 s1, $0x11  }
0xbd: {  	s0 =	sor.u32 s1, s0  }
0xbe: {  	s0 =	sadd.s32 $0x8F2B, s0  }
0xbf: {  	[sflag:s0] =	ssyncadd.remote.s32 $0x1  }
0xc0: {  	_ =	sfence.sel $0xFFFF  }
0xc1: {  	[dreg:$0x0] =	wrdreg $0xFFFFFFFF;
	(pc) =	sbr.abs _section_cstart, $3  }
0xc2: {  	[dreg:$0x1] =	wrdreg $0xFFFFFFFF  }
0xc3: {  	_ =	task.clear_ibuf [dreg:s8], $0x2FFFF;
	_ =	strace $0x9FFFFFFF  }
0xc4: {  	(tm) =	ssettm $0x7FFFFFFF  }
0xc5: {  	_ =	shalt  }
tec
execute0_lowered:
.L_overlay_start_1:
0x0: {  	(tag) =	ssettag $0x1  }
0x1: {  	s0 =	rddreg [dreg:$0x0]  }
0x2: {  	s1 =	srdreg.scid;
	s2 =	rddreg [dreg:$0x1]  }
0x3: {  	s21 =	stileid.u32;
	s4 =	rddreg [dreg:$0x2];
	s3 =	simm.s32 $0x0  }
0x4: {  	s29 =	simm.s32 $0xA00;
	s30 =	simm.s32 $0x2200;
	s28 =	simm.s32 $0x3200  }
0x5: {  	s31 =	simm.s32 $0x6;
	s1 =	sand.u32 $0x1, s1;
	s5 =	sshll.u32 s21, $0xA  }
0x6: {  	[smem:$0x7FF] =	sst s3;
	s7 =	sadd.s32 $0x300, s2;
	s8 =	sadd.s32 $0x400, s2  }
0x7: {  	s9 =	sadd.s32 $0x500, s2;
	s10 =	sadd.s32 $0x600, s2;
	s11 =	sadd.s32 $0x700, s2  }
0x8: {  	s12 =	sadd.s32 $0x800, s2;
	s13 =	sadd.s32 $0x900, s2;
	s14 =	sadd.s32 $0xA00, s2  }
0x9: {  	s15 =	sadd.s32 $0xB00, s2;
	s16 =	sadd.s32 $0xC00, s2;
	s18 =	sadd.s32 $0xE00, s2  }
0xa: {  	s23 =	sshll.u32 s21, $0x13;
	s21 =	simm.s32 $0x2A00;
	s6 =	sshll.u32 s1, $0x9  }
0xb: {  	s19 =	ssub.s32 $0x2, s1;
	_ =	strace $0x80000047;
	s1 =	sshll.u32 s1, $0x12  }
0xc: {  	s17 =	sor.u32 s6, s5;
	s20 =	sshrl.u32 s19, $0x1;
	s6 =	sadd.s32 $0x200, s2  }
0xd: {  	s5 =	sshrl.u32 s17, $0x3;
	s19 =	ssub.s32 s19, s20;
	s22 =	sshll.u32 s17, $0x9  }
0xe: {  	s17 =	sadd.s32 $0xD00, s2;
	s20 =	sadd.s32 $0xF00, s2;
	s22 =	sadd.s32 s4, s22  }
0xf: {  	s0 =	sadd.s32 s5, s0;
	s26 =	smax.u32 s19, $0x1;
	[dreg:$0x6] =	wrdreg s22  }
0x10: {  	s5 =	sadd.s32 $0x100, s2;
	s0 =	sadd.s32 $0x400, s0;
	[dreg:$0xa] =	wrdreg s26  }
0x11: {  	s19 =	simm.s32 $0x5;
	s24 =	sadd.s32 $0x2000, s22;
	[dreg:$0x5] =	wrdreg s0  }
0x12: {  	s25 =	sadd.s32 $0x3F000, s22;
	s26 =	simm.s32 $0x1200;
	[dreg:$0x8] =	wrdreg s24  }
0x13: {  	s0 =	sadd.s32 $0x1000, s22;
	[dreg:$0x9] =	wrdreg s25;
	s25 =	simm.s32 $0x1A00  }
0x14: {  	v0 =	vlaneseq.u32;
	s24 =	simm.s32 $0x4;
	[dreg:$0x7] =	wrdreg s0;
	s0 =	sadd.s32 s23, s4  }
0x15: {  	v1 =	vshrl.u32 v0, $0x3;
	s22 =	simm.s32 $0x0;
	s23 =	simm.s32 $0x2;
	s0 =	sadd.s32 s1, s0  }
0x16: {  	vm0 =	vmmov $0xffff;
	v0 =	vand.u32 $0x7, v0;
	v1 =	vmul.u32 $0x8, v1;
	s4 =	simm.s32 $0x3;
	[dreg:$0x4] =	wrdreg s0;
	s0 =	simm.s32 $0x1  }
.LBB2_1:
0x17: {  	[dreg:$0xb] =	wrdreg s22  }
0x18: {  	s1 =	rddreg [dreg:$0x5];
	s22 =	simm.s32 $0x7  }
0x19: {  	[tilespmem:s3], [sflag:$0x7] =	stream.linear.gather [hbm4b:s1+s3], $0x200, $0x38;
	[tilespmem:$0x18200] =	vst v63  }
0x1a: {  	_ =	swait.ge [sflag:s22], $0x200  }
0x1b: {  	[sflag:s22] =	ssyncset.done $0x0  }
0x1c: {  	[sflag:s22] =	ssyncadd.s32 $0xFFFFFE00  }
0x1d: {  	v2 =	vld.msk [tilespmem:$0x0], $0xff;
	_ =	sdelay $0x4  }
0x1e: {  	v3 =	vshll.u32 v2, $0x5  }
0x1f: {  	v2 =	vand.u32 $0x7, v2;
	v3 =	vand.u32 $0xFFFFFF00, v3  }
0x20: {  	v2 =	vor.u32 v2, v3  }
0x21: {  	v2 =	vperm.xlane v2, v0;
	_ =	sdelay $0x1  }
0x22: {  	v2 =	vadd.s32 v1, v2;
	_ =	sdelay $0x3  }
0x23: {  	s22 =	simm.s32 $0x200  }
0x24: {  	[tilespmem:s22], [sflag:$0x1] =	stream.indirect_vreg.gather [hbm4b:s2+s3], $0x80, v2, vm0, $0xb8;
	[tilespmem:$0x18200] =	vst v63  }
0x25: {  	_ = 	snop  }
0x26: {  	[tilespmem:s29], [sflag:$0x1] =	stream.indirect_vreg.gather [hbm4b:s5+s3], $0x80, v2, vm0, $0xb8;
	[tilespmem:$0x18200] =	vst v63  }
0x27: {  	_ = 	snop  }
0x28: {  	[tilespmem:s26], [sflag:$0x1] =	stream.indirect_vreg.gather [hbm4b:s6+s3], $0x80, v2, vm0, $0xb8;
	[tilespmem:$0x18200] =	vst v63  }
0x29: {  	_ = 	snop  }
0x2a: {  	[tilespmem:s25], [sflag:$0x1] =	stream.indirect_vreg.gather [hbm4b:s7+s3], $0x80, v2, vm0, $0xb8;
	[tilespmem:$0x18200] =	vst v63  }
0x2b: {  	_ = 	snop  }
0x2c: {  	[tilespmem:s30], [sflag:$0x1] =	stream.indirect_vreg.gather [hbm4b:s8+s3], $0x80, v2, vm0, $0xb8;
	[tilespmem:$0x18200] =	vst v63  }
0x2d: {  	_ = 	snop  }
0x2e: {  	[tilespmem:s21], [sflag:$0x1] =	stream.indirect_vreg.gather [hbm4b:s9+s3], $0x80, v2, vm0, $0xb8;
	[tilespmem:$0x18200] =	vst v63  }
0x2f: {  	_ = 	snop  }
0x30: {  	[tilespmem:s28], [sflag:$0x1] =	stream.indirect_vreg.gather [hbm4b:s10+s3], $0x80, v2, vm0, $0xb8;
	[tilespmem:$0x18200] =	vst v63  }
0x31: {  	s26 =	simm.s32 $0x3A00  }
0x32: {  	[tilespmem:s26], [sflag:$0x1] =	stream.indirect_vreg.gather [hbm4b:s11+s3], $0x80, v2, vm0, $0xb8;
	[tilespmem:$0x18200] =	vst v63  }
0x33: {  	s22 =	simm.s32 $0x4200  }
0x34: {  	[tilespmem:s22], [sflag:$0x1] =	stream.indirect_vreg.gather [hbm4b:s12+s3], $0x80, v2, vm0, $0xb8;
	[tilespmem:$0x18200] =	vst v63  }
0x35: {  	s25 =	simm.s32 $0x4A00  }
0x36: {  	[tilespmem:s25], [sflag:$0x1] =	stream.indirect_vreg.gather [hbm4b:s13+s3], $0x80, v2, vm0, $0xb8;
	[tilespmem:$0x18200] =	vst v63  }
0x37: {  	s26 =	simm.s32 $0x5200  }
0x38: {  	[tilespmem:s26], [sflag:$0x1] =	stream.indirect_vreg.gather [hbm4b:s14+s3], $0x80, v2, vm0, $0xb8;
	[tilespmem:$0x18200] =	vst v63  }
0x39: {  	s22 =	simm.s32 $0x5A00  }
0x3a: {  	[tilespmem:s22], [sflag:$0x1] =	stream.indirect_vreg.gather [hbm4b:s15+s3], $0x80, v2, vm0, $0xb8;
	[tilespmem:$0x18200] =	vst v63  }
0x3b: {  	s25 =	simm.s32 $0x6200  }
0x3c: {  	[tilespmem:s25], [sflag:$0x1] =	stream.indirect_vreg.gather [hbm4b:s16+s3], $0x80, v2, vm0, $0xb8;
	[tilespmem:$0x18200] =	vst v63  }
0x3d: {  	s26 =	simm.s32 $0x6A00  }
0x3e: {  	[tilespmem:s26], [sflag:$0x1] =	stream.indirect_vreg.gather [hbm4b:s17+s3], $0x80, v2, vm0, $0xb8;
	[tilespmem:$0x18200] =	vst v63  }
0x3f: {  	s22 =	simm.s32 $0x7200  }
0x40: {  	[tilespmem:s22], [sflag:$0x1] =	stream.indirect_vreg.gather [hbm4b:s18+s3], $0x80, v2, vm0, $0xb8;
	[tilespmem:$0x18200] =	vst v63  }
0x41: {  	s25 =	simm.s32 $0x7A00  }
0x42: {  	[tilespmem:s25], [sflag:$0x1] =	stream.indirect_vreg.gather [hbm4b:s20+s3], $0x80, v2, vm0, $0xb8;
	[tilespmem:$0x18200] =	vst v63  }
0x43: {  	v2 =	vld.msk [tilespmem:$0x8], $0xff;
	_ =	sdelay $0x4  }
0x44: {  	v3 =	vshll.u32 v2, $0x5  }
0x45: {  	v2 =	vand.u32 $0x7, v2;
	v3 =	vand.u32 $0xFFFFFF00, v3  }
0x46: {  	v2 =	vor.u32 v2, v3  }
0x47: {  	v2 =	vperm.xlane v2, v0;
	_ =	sdelay $0x1  }
0x48: {  	v2 =	vadd.s32 v1, v2;
	_ =	sdelay $0x3  }
0x49: {  	s22 =	simm.s32 $0x8200  }
0x4a: {  	[tilespmem:s22], [sflag:$0x2] =	stream.indirect_vreg.gather [hbm4b:s2+s3], $0x80, v2, vm0, $0xb8;
	[tilespmem:$0x18200] =	vst v63  }
0x4b: {  	s26 =	simm.s32 $0x8A00  }
0x4c: {  	[tilespmem:s26], [sflag:$0x2] =	stream.indirect_vreg.gather [hbm4b:s5+s3], $0x80, v2, vm0, $0xb8;
	[tilespmem:$0x18200] =	vst v63  }
0x4d: {  	s25 =	simm.s32 $0x9200  }
0x4e: {  	[tilespmem:s25], [sflag:$0x2] =	stream.indirect_vreg.gather [hbm4b:s6+s3], $0x80, v2, vm0, $0xb8;
	[tilespmem:$0x18200] =	vst v63  }
0x4f: {  	s26 =	simm.s32 $0x9A00  }
0x50: {  	[tilespmem:s26], [sflag:$0x2] =	stream.indirect_vreg.gather [hbm4b:s7+s3], $0x80, v2, vm0, $0xb8;
	[tilespmem:$0x18200] =	vst v63  }
0x51: {  	s25 =	simm.s32 $0xA200  }
0x52: {  	[tilespmem:s25], [sflag:$0x2] =	stream.indirect_vreg.gather [hbm4b:s8+s3], $0x80, v2, vm0, $0xb8;
	[tilespmem:$0x18200] =	vst v63  }
0x53: {  	s26 =	simm.s32 $0xAA00  }
0x54: {  	[tilespmem:s26], [sflag:$0x2] =	stream.indirect_vreg.gather [hbm4b:s9+s3], $0x80, v2, vm0, $0xb8;
	[tilespmem:$0x18200] =	vst v63  }
0x55: {  	s25 =	simm.s32 $0xB200  }
0x56: {  	[tilespmem:s25], [sflag:$0x2] =	stream.indirect_vreg.gather [hbm4b:s10+s3], $0x80, v2, vm0, $0xb8;
	[tilespmem:$0x18200] =	vst v63  }
0x57: {  	s26 =	simm.s32 $0xBA00  }
0x58: {  	[tilespmem:s26], [sflag:$0x2] =	stream.indirect_vreg.gather [hbm4b:s11+s3], $0x80, v2, vm0, $0xb8;
	[tilespmem:$0x18200] =	vst v63  }
0x59: {  	s25 =	simm.s32 $0xC200  }
0x5a: {  	[tilespmem:s25], [sflag:$0x2] =	stream.indirect_vreg.gather [hbm4b:s12+s3], $0x80, v2, vm0, $0xb8;
	[tilespmem:$0x18200] =	vst v63  }
0x5b: {  	s26 =	simm.s32 $0xCA00  }
0x5c: {  	[tilespmem:s26], [sflag:$0x2] =	stream.indirect_vreg.gather [hbm4b:s13+s3], $0x80, v2, vm0, $0xb8;
	[tilespmem:$0x18200] =	vst v63  }
0x5d: {  	s25 =	simm.s32 $0xD200  }
0x5e: {  	[tilespmem:s25], [sflag:$0x2] =	stream.indirect_vreg.gather [hbm4b:s14+s3], $0x80, v2, vm0, $0xb8;
	[tilespmem:$0x18200] =	vst v63  }
0x5f: {  	s26 =	simm.s32 $0xDA00  }
0x60: {  	[tilespmem:s26], [sflag:$0x2] =	stream.indirect_vreg.gather [hbm4b:s15+s3], $0x80, v2, vm0, $0xb8;
	[tilespmem:$0x18200] =	vst v63  }
0x61: {  	s25 =	simm.s32 $0xE200  }
0x62: {  	[tilespmem:s25], [sflag:$0x2] =	stream.indirect_vreg.gather [hbm4b:s16+s3], $0x80, v2, vm0, $0xb8;
	[tilespmem:$0x18200] =	vst v63  }
0x63: {  	s26 =	simm.s32 $0xEA00  }
0x64: {  	[tilespmem:s26], [sflag:$0x2] =	stream.indirect_vreg.gather [hbm4b:s17+s3], $0x80, v2, vm0, $0xb8;
	[tilespmem:$0x18200] =	vst v63  }
0x65: {  	s25 =	simm.s32 $0xF200  }
0x66: {  	[tilespmem:s25], [sflag:$0x2] =	stream.indirect_vreg.gather [hbm4b:s18+s3], $0x80, v2, vm0, $0xb8;
	[tilespmem:$0x18200] =	vst v63  }
0x67: {  	s26 =	simm.s32 $0xFA00  }
0x68: {  	[tilespmem:s26], [sflag:$0x2] =	stream.indirect_vreg.gather [hbm4b:s20+s3], $0x80, v2, vm0, $0xb8;
	[tilespmem:$0x18200] =	vst v63  }
0x69: {  	v2 =	vld.msk [tilespmem:$0x10], $0xff;
	_ =	sdelay $0x4  }
0x6a: {  	v3 =	vshll.u32 v2, $0x5  }
0x6b: {  	v2 =	vand.u32 $0x7, v2;
	v3 =	vand.u32 $0xFFFFFF00, v3  }
0x6c: {  	v2 =	vor.u32 v2, v3  }
0x6d: {  	v2 =	vperm.xlane v2, v0;
	_ =	sdelay $0x1  }
0x6e: {  	v2 =	vadd.s32 v1, v2;
	_ =	sdelay $0x3  }
0x6f: {  	s26 =	simm.s32 $0x10200  }
0x70: {  	[tilespmem:s26], [sflag:$0x3] =	stream.indirect_vreg.gather [hbm4b:s2+s3], $0x80, v2, vm0, $0xb8;
	[tilespmem:$0x18200] =	vst v63  }
0x71: {  	s25 =	simm.s32 $0x10A00  }
0x72: {  	[tilespmem:s25], [sflag:$0x3] =	stream.indirect_vreg.gather [hbm4b:s5+s3], $0x80, v2, vm0, $0xb8;
	[tilespmem:$0x18200] =	vst v63  }
0x73: {  	s25 =	simm.s32 $0x11200  }
0x74: {  	[tilespmem:s25], [sflag:$0x3] =	stream.indirect_vreg.gather [hbm4b:s6+s3], $0x80, v2, vm0, $0xb8;
	[tilespmem:$0x18200] =	vst v63  }
0x75: {  	s25 =	simm.s32 $0x11A00  }
0x76: {  	[tilespmem:s25], [sflag:$0x3] =	stream.indirect_vreg.gather [hbm4b:s7+s3], $0x80, v2, vm0, $0xb8;
	[tilespmem:$0x18200] =	vst v63  }
0x77: {  	s25 =	simm.s32 $0x12200  }
0x78: {  	[tilespmem:s25], [sflag:$0x3] =	stream.indirect_vreg.gather [hbm4b:s8+s3], $0x80, v2, vm0, $0xb8;
	[tilespmem:$0x18200] =	vst v63  }
0x79: {  	s25 =	simm.s32 $0x12A00  }
0x7a: {  	[tilespmem:s25], [sflag:$0x3] =	stream.indirect_vreg.gather [hbm4b:s9+s3], $0x80, v2, vm0, $0xb8;
	[tilespmem:$0x18200] =	vst v63  }
0x7b: {  	s25 =	simm.s32 $0x13200  }
0x7c: {  	[tilespmem:s25], [sflag:$0x3] =	stream.indirect_vreg.gather [hbm4b:s10+s3], $0x80, v2, vm0, $0xb8;
	[tilespmem:$0x18200] =	vst v63  }
0x7d: {  	s25 =	simm.s32 $0x13A00  }
0x7e: {  	[tilespmem:s25], [sflag:$0x3] =	stream.indirect_vreg.gather [hbm4b:s11+s3], $0x80, v2, vm0, $0xb8;
	[tilespmem:$0x18200] =	vst v63  }
0x7f: {  	s25 =	simm.s32 $0x14200  }
0x80: {  	[tilespmem:s25], [sflag:$0x3] =	stream.indirect_vreg.gather [hbm4b:s12+s3], $0x80, v2, vm0, $0xb8;
	[tilespmem:$0x18200] =	vst v63  }
0x81: {  	s25 =	simm.s32 $0x14A00  }
0x82: {  	[tilespmem:s25], [sflag:$0x3] =	stream.indirect_vreg.gather [hbm4b:s13+s3], $0x80, v2, vm0, $0xb8;
	[tilespmem:$0x18200] =	vst v63  }
0x83: {  	s25 =	simm.s32 $0x15200  }
0x84: {  	[tilespmem:s25], [sflag:$0x3] =	stream.indirect_vreg.gather [hbm4b:s14+s3], $0x80, v2, vm0, $0xb8;
	[tilespmem:$0x18200] =	vst v63  }
0x85: {  	s25 =	simm.s32 $0x15A00  }
0x86: {  	[tilespmem:s25], [sflag:$0x3] =	stream.indirect_vreg.gather [hbm4b:s15+s3], $0x80, v2, vm0, $0xb8;
	[tilespmem:$0x18200] =	vst v63  }
0x87: {  	s25 =	simm.s32 $0x16200  }
0x88: {  	[tilespmem:s25], [sflag:$0x3] =	stream.indirect_vreg.gather [hbm4b:s16+s3], $0x80, v2, vm0, $0xb8;
	[tilespmem:$0x18200] =	vst v63  }
0x89: {  	s25 =	simm.s32 $0x16A00  }
0x8a: {  	[tilespmem:s25], [sflag:$0x3] =	stream.indirect_vreg.gather [hbm4b:s17+s3], $0x80, v2, vm0, $0xb8;
	[tilespmem:$0x18200] =	vst v63  }
0x8b: {  	s25 =	simm.s32 $0x17200  }
0x8c: {  	[tilespmem:s25], [sflag:$0x3] =	stream.indirect_vreg.gather [hbm4b:s18+s3], $0x80, v2, vm0, $0xb8;
	[tilespmem:$0x18200] =	vst v63  }
0x8d: {  	s25 =	simm.s32 $0x17A00  }
0x8e: {  	[tilespmem:s25], [sflag:$0x3] =	stream.indirect_vreg.gather [hbm4b:s20+s3], $0x80, v2, vm0, $0xb8;
	[tilespmem:$0x18200] =	vst v63  }
0x8f: {  	_ =	swait.ge [sflag:s0], $0x8000  }
0x90: {  	[sflag:s0] =	ssyncset.done $0x0  }
0x91: {  	s25 =	simm.s32 $0x200;
	s1 =	rddreg [dreg:$0x6];
	[sflag:s0] =	ssyncadd.s32 $0xFFFF8000  }
0x92: {  	[hbm4b:s1+s3] =	stream.linear.scatter [tilespmem:s25], [sflag:$0x4], $0x8000, $0x38;
	[tilespmem:$0x18200] =	vst v63  }
0x93: {  	_ =	swait.ge [sflag:s23], $0x8000  }
0x94: {  	[sflag:s23] =	ssyncset.done $0x0  }
0x95: {  	s1 =	rddreg [dreg:$0x7];
	[sflag:s23] =	ssyncadd.s32 $0xFFFF8000  }
0x96: {  	[hbm4b:s1+s3] =	stream.linear.scatter [tilespmem:s22], [sflag:$0x5], $0x8000, $0x38;
	[tilespmem:$0x18200] =	vst v63  }
0x97: {  	_ =	swait.ge [sflag:s4], $0x8000  }
0x98: {  	[sflag:s4] =	ssyncset.done $0x0  }
0x99: {  	s1 =	rddreg [dreg:$0x8];
	[sflag:s4] =	ssyncadd.s32 $0xFFFF8000  }
0x9a: {  	[hbm4b:s1+s3] =	stream.linear.scatter [tilespmem:s26], [sflag:$0x6], $0x8000, $0x38;
	[tilespmem:$0x18200] =	vst v63  }
0x9b: {  	_ =	swait.ge [sflag:s24], $0x8000  }
0x9c: {  	[sflag:s24] =	ssyncset.done $0x0  }
0x9d: {  	[sflag:s24] =	ssyncadd.s32 $0xFFFF8000  }
0x9e: {  	v2 =	vld.msk [tilespmem:$0x18], $0xff;
	_ =	sdelay $0x4  }
0x9f: {  	v3 =	vshll.u32 v2, $0x5  }
0xa0: {  	v2 =	vand.u32 $0x7, v2;
	v3 =	vand.u32 $0xFFFFFF00, v3  }
0xa1: {  	v2 =	vor.u32 v2, v3  }
0xa2: {  	v2 =	vperm.xlane v2, v0;
	_ =	sdelay $0x1  }
0xa3: {  	v2 =	vadd.s32 v1, v2;
	_ =	sdelay $0x3  }
0xa4: {  	s25 =	simm.s32 $0x200  }
0xa5: {  	[tilespmem:s25], [sflag:$0x1] =	stream.indirect_vreg.gather [hbm4b:s2+s3], $0x80, v2, vm0, $0xb8;
	[tilespmem:$0x18200] =	vst v63  }
0xa6: {  	_ = 	snop  }
0xa7: {  	[tilespmem:s29], [sflag:$0x1] =	stream.indirect_vreg.gather [hbm4b:s5+s3], $0x80, v2, vm0, $0xb8;
	[tilespmem:$0x18200] =	vst v63  }
0xa8: {  	s25 =	simm.s32 $0x1200  }
0xa9: {  	[tilespmem:s25], [sflag:$0x1] =	stream.indirect_vreg.gather [hbm4b:s6+s3], $0x80, v2, vm0, $0xb8;
	[tilespmem:$0x18200] =	vst v63  }
0xaa: {  	s29 =	simm.s32 $0x1A00  }
0xab: {  	[tilespmem:s29], [sflag:$0x1] =	stream.indirect_vreg.gather [hbm4b:s7+s3], $0x80, v2, vm0, $0xb8;
	[tilespmem:$0x18200] =	vst v63  }
0xac: {  	_ = 	snop  }
0xad: {  	[tilespmem:s30], [sflag:$0x1] =	stream.indirect_vreg.gather [hbm4b:s8+s3], $0x80, v2, vm0, $0xb8;
	[tilespmem:$0x18200] =	vst v63  }
0xae: {  	_ = 	snop  }
0xaf: {  	[tilespmem:s21], [sflag:$0x1] =	stream.indirect_vreg.gather [hbm4b:s9+s3], $0x80, v2, vm0, $0xb8;
	[tilespmem:$0x18200] =	vst v63  }
0xb0: {  	_ = 	snop  }
0xb1: {  	[tilespmem:s28], [sflag:$0x1] =	stream.indirect_vreg.gather [hbm4b:s10+s3], $0x80, v2, vm0, $0xb8;
	[tilespmem:$0x18200] =	vst v63  }
0xb2: {  	s30 =	simm.s32 $0x3A00  }
0xb3: {  	[tilespmem:s30], [sflag:$0x1] =	stream.indirect_vreg.gather [hbm4b:s11+s3], $0x80, v2, vm0, $0xb8;
	[tilespmem:$0x18200] =	vst v63  }
0xb4: {  	s21 =	simm.s32 $0x4200  }
0xb5: {  	[tilespmem:s21], [sflag:$0x1] =	stream.indirect_vreg.gather [hbm4b:s12+s3], $0x80, v2, vm0, $0xb8;
	[tilespmem:$0x18200] =	vst v63  }
0xb6: {  	s25 =	simm.s32 $0x4A00  }
0xb7: {  	[tilespmem:s25], [sflag:$0x1] =	stream.indirect_vreg.gather [hbm4b:s13+s3], $0x80, v2, vm0, $0xb8;
	[tilespmem:$0x18200] =	vst v63  }
0xb8: {  	s29 =	simm.s32 $0x5200  }
0xb9: {  	[tilespmem:s29], [sflag:$0x1] =	stream.indirect_vreg.gather [hbm4b:s14+s3], $0x80, v2, vm0, $0xb8;
	[tilespmem:$0x18200] =	vst v63  }
0xba: {  	s30 =	simm.s32 $0x5A00  }
0xbb: {  	[tilespmem:s30], [sflag:$0x1] =	stream.indirect_vreg.gather [hbm4b:s15+s3], $0x80, v2, vm0, $0xb8;
	[tilespmem:$0x18200] =	vst v63  }
0xbc: {  	s21 =	simm.s32 $0x6200  }
0xbd: {  	[tilespmem:s21], [sflag:$0x1] =	stream.indirect_vreg.gather [hbm4b:s16+s3], $0x80, v2, vm0, $0xb8;
	[tilespmem:$0x18200] =	vst v63  }
0xbe: {  	s25 =	simm.s32 $0x6A00  }
0xbf: {  	[tilespmem:s25], [sflag:$0x1] =	stream.indirect_vreg.gather [hbm4b:s17+s3], $0x80, v2, vm0, $0xb8;
	[tilespmem:$0x18200] =	vst v63  }
0xc0: {  	s29 =	simm.s32 $0x7200  }
0xc1: {  	[tilespmem:s29], [sflag:$0x1] =	stream.indirect_vreg.gather [hbm4b:s18+s3], $0x80, v2, vm0, $0xb8;
	[tilespmem:$0x18200] =	vst v63  }
0xc2: {  	s28 =	simm.s32 $0x0;
	s30 =	simm.s32 $0x7A00;
	s25 =	simm.s32 $0x30  }
0xc3: {  	[tilespmem:s30], [sflag:$0x1] =	stream.indirect_vreg.gather [hbm4b:s20+s3], $0x80, v2, vm0, $0xb8;
	[tilespmem:$0x18200] =	vst v63  }
.LBB2_2:
0xc4: {  	_ =	swait.ge [sflag:s0], $0x8000  }
0xc5: {  	s1 =	rddreg [dreg:$0x4]  }
0xc6: {  	[sflag:s0] =	ssyncset.done $0x0;
	s1 =	sadd.s32 s28, s1  }
0xc7: {  	s30 =	simm.s32 $0x200;
	[sflag:s0] =	ssyncadd.s32 $0xFFFF8000;
	s29 =	sadd.s32 $0x3000, s1  }
0xc8: {  	[hbm4b:s29+s3] =	stream.linear.scatter [tilespmem:s30], [sflag:$0x4], $0x8000, $0x38;
	[tilespmem:$0x18200] =	vst v63  }
0xc9: {  	_ =	swait.ge [sflag:s19], $0x8000  }
0xca: {  	[sflag:s19] =	ssyncset.done $0x0  }
0xcb: {  	[sflag:s19] =	ssyncadd.s32 $0xFFFF8000  }
0xcc: {  	v2 =	vld.msk [tilespmem:s25+$0xFFFFFFF0], $0xff;
	_ =	sdelay $0x4  }
0xcd: {  	v3 =	vshll.u32 v2, $0x5  }
0xce: {  	v2 =	vand.u32 $0x7, v2;
	v3 =	vand.u32 $0xFFFFFF00, v3  }
0xcf: {  	v2 =	vor.u32 v2, v3  }
0xd0: {  	v2 =	vperm.xlane v2, v0;
	_ =	sdelay $0x1  }
0xd1: {  	v2 =	vadd.s32 v1, v2;
	_ =	sdelay $0x4  }
0xd2: {  	[tilespmem:s22], [sflag:$0x2] =	stream.indirect_vreg.gather [hbm4b:s2+s3], $0x80, v2, vm0, $0xb8;
	[tilespmem:$0x18200] =	vst v63  }
0xd3: {  	s21 =	simm.s32 $0x8A00  }
0xd4: {  	[tilespmem:s21], [sflag:$0x2] =	stream.indirect_vreg.gather [hbm4b:s5+s3], $0x80, v2, vm0, $0xb8;
	[tilespmem:$0x18200] =	vst v63  }
0xd5: {  	s21 =	simm.s32 $0x9200  }
0xd6: {  	[tilespmem:s21], [sflag:$0x2] =	stream.indirect_vreg.gather [hbm4b:s6+s3], $0x80, v2, vm0, $0xb8;
	[tilespmem:$0x18200] =	vst v63  }
0xd7: {  	s21 =	simm.s32 $0x9A00  }
0xd8: {  	[tilespmem:s21], [sflag:$0x2] =	stream.indirect_vreg.gather [hbm4b:s7+s3], $0x80, v2, vm0, $0xb8;
	[tilespmem:$0x18200] =	vst v63  }
0xd9: {  	s21 =	simm.s32 $0xA200  }
0xda: {  	[tilespmem:s21], [sflag:$0x2] =	stream.indirect_vreg.gather [hbm4b:s8+s3], $0x80, v2, vm0, $0xb8;
	[tilespmem:$0x18200] =	vst v63  }
0xdb: {  	s21 =	simm.s32 $0xAA00  }
0xdc: {  	[tilespmem:s21], [sflag:$0x2] =	stream.indirect_vreg.gather [hbm4b:s9+s3], $0x80, v2, vm0, $0xb8;
	[tilespmem:$0x18200] =	vst v63  }
0xdd: {  	s21 =	simm.s32 $0xB200  }
0xde: {  	[tilespmem:s21], [sflag:$0x2] =	stream.indirect_vreg.gather [hbm4b:s10+s3], $0x80, v2, vm0, $0xb8;
	[tilespmem:$0x18200] =	vst v63  }
0xdf: {  	s21 =	simm.s32 $0xBA00  }
0xe0: {  	[tilespmem:s21], [sflag:$0x2] =	stream.indirect_vreg.gather [hbm4b:s11+s3], $0x80, v2, vm0, $0xb8;
	[tilespmem:$0x18200] =	vst v63  }
0xe1: {  	s21 =	simm.s32 $0xC200  }
0xe2: {  	[tilespmem:s21], [sflag:$0x2] =	stream.indirect_vreg.gather [hbm4b:s12+s3], $0x80, v2, vm0, $0xb8;
	[tilespmem:$0x18200] =	vst v63  }
0xe3: {  	s21 =	simm.s32 $0xCA00  }
0xe4: {  	[tilespmem:s21], [sflag:$0x2] =	stream.indirect_vreg.gather [hbm4b:s13+s3], $0x80, v2, vm0, $0xb8;
	[tilespmem:$0x18200] =	vst v63  }
0xe5: {  	s21 =	simm.s32 $0xD200  }
0xe6: {  	[tilespmem:s21], [sflag:$0x2] =	stream.indirect_vreg.gather [hbm4b:s14+s3], $0x80, v2, vm0, $0xb8;
	[tilespmem:$0x18200] =	vst v63  }
0xe7: {  	s21 =	simm.s32 $0xDA00  }
0xe8: {  	[tilespmem:s21], [sflag:$0x2] =	stream.indirect_vreg.gather [hbm4b:s15+s3], $0x80, v2, vm0, $0xb8;
	[tilespmem:$0x18200] =	vst v63  }
0xe9: {  	s21 =	simm.s32 $0xE200  }
0xea: {  	[tilespmem:s21], [sflag:$0x2] =	stream.indirect_vreg.gather [hbm4b:s16+s3], $0x80, v2, vm0, $0xb8;
	[tilespmem:$0x18200] =	vst v63  }
0xeb: {  	s21 =	simm.s32 $0xEA00  }
0xec: {  	[tilespmem:s21], [sflag:$0x2] =	stream.indirect_vreg.gather [hbm4b:s17+s3], $0x80, v2, vm0, $0xb8;
	[tilespmem:$0x18200] =	vst v63  }
0xed: {  	s21 =	simm.s32 $0xF200  }
0xee: {  	[tilespmem:s21], [sflag:$0x2] =	stream.indirect_vreg.gather [hbm4b:s18+s3], $0x80, v2, vm0, $0xb8;
	[tilespmem:$0x18200] =	vst v63  }
0xef: {  	s21 =	simm.s32 $0xFA00  }
0xf0: {  	[tilespmem:s21], [sflag:$0x2] =	stream.indirect_vreg.gather [hbm4b:s20+s3], $0x80, v2, vm0, $0xb8;
	[tilespmem:$0x18200] =	vst v63  }
0xf1: {  	_ =	swait.ge [sflag:s23], $0x8000  }
0xf2: {  	[sflag:s23] =	ssyncset.done $0x0  }
0xf3: {  	s29 =	sadd.s32 $0x4000, s1;
	[sflag:s23] =	ssyncadd.s32 $0xFFFF8000  }
0xf4: {  	[hbm4b:s29+s3] =	stream.linear.scatter [tilespmem:s22], [sflag:$0x5], $0x8000, $0x38;
	[tilespmem:$0x18200] =	vst v63  }
0xf5: {  	_ =	swait.ge [sflag:s31], $0x8000  }
0xf6: {  	[sflag:s31] =	ssyncset.done $0x0  }
0xf7: {  	[sflag:s31] =	ssyncadd.s32 $0xFFFF8000  }
0xf8: {  	v2 =	vld.msk [tilespmem:s25+$0xFFFFFFF8], $0xff;
	_ =	sdelay $0x4  }
0xf9: {  	v3 =	vshll.u32 v2, $0x5  }
0xfa: {  	v2 =	vand.u32 $0x7, v2;
	v3 =	vand.u32 $0xFFFFFF00, v3  }
0xfb: {  	v2 =	vor.u32 v2, v3  }
0xfc: {  	v2 =	vperm.xlane v2, v0;
	_ =	sdelay $0x1  }
0xfd: {  	v2 =	vadd.s32 v1, v2;
	_ =	sdelay $0x4  }
0xfe: {  	[tilespmem:s26], [sflag:$0x3] =	stream.indirect_vreg.gather [hbm4b:s2+s3], $0x80, v2, vm0, $0xb8;
	[tilespmem:$0x18200] =	vst v63  }
0xff: {  	s21 =	simm.s32 $0x10A00  }
0x100: {  	[tilespmem:s21], [sflag:$0x3] =	stream.indirect_vreg.gather [hbm4b:s5+s3], $0x80, v2, vm0, $0xb8;
	[tilespmem:$0x18200] =	vst v63  }
0x101: {  	s21 =	simm.s32 $0x11200  }
0x102: {  	[tilespmem:s21], [sflag:$0x3] =	stream.indirect_vreg.gather [hbm4b:s6+s3], $0x80, v2, vm0, $0xb8;
	[tilespmem:$0x18200] =	vst v63  }
0x103: {  	s21 =	simm.s32 $0x11A00  }
0x104: {  	[tilespmem:s21], [sflag:$0x3] =	stream.indirect_vreg.gather [hbm4b:s7+s3], $0x80, v2, vm0, $0xb8;
	[tilespmem:$0x18200] =	vst v63  }
0x105: {  	s21 =	simm.s32 $0x12200  }
0x106: {  	[tilespmem:s21], [sflag:$0x3] =	stream.indirect_vreg.gather [hbm4b:s8+s3], $0x80, v2, vm0, $0xb8;
	[tilespmem:$0x18200] =	vst v63  }
0x107: {  	s21 =	simm.s32 $0x12A00  }
0x108: {  	[tilespmem:s21], [sflag:$0x3] =	stream.indirect_vreg.gather [hbm4b:s9+s3], $0x80, v2, vm0, $0xb8;
	[tilespmem:$0x18200] =	vst v63  }
0x109: {  	s21 =	simm.s32 $0x13200  }
0x10a: {  	[tilespmem:s21], [sflag:$0x3] =	stream.indirect_vreg.gather [hbm4b:s10+s3], $0x80, v2, vm0, $0xb8;
	[tilespmem:$0x18200] =	vst v63  }
0x10b: {  	s21 =	simm.s32 $0x13A00  }
0x10c: {  	[tilespmem:s21], [sflag:$0x3] =	stream.indirect_vreg.gather [hbm4b:s11+s3], $0x80, v2, vm0, $0xb8;
	[tilespmem:$0x18200] =	vst v63  }
0x10d: {  	s21 =	simm.s32 $0x14200  }
0x10e: {  	[tilespmem:s21], [sflag:$0x3] =	stream.indirect_vreg.gather [hbm4b:s12+s3], $0x80, v2, vm0, $0xb8;
	[tilespmem:$0x18200] =	vst v63  }
0x10f: {  	s21 =	simm.s32 $0x14A00  }
0x110: {  	[tilespmem:s21], [sflag:$0x3] =	stream.indirect_vreg.gather [hbm4b:s13+s3], $0x80, v2, vm0, $0xb8;
	[tilespmem:$0x18200] =	vst v63  }
0x111: {  	s21 =	simm.s32 $0x15200  }
0x112: {  	[tilespmem:s21], [sflag:$0x3] =	stream.indirect_vreg.gather [hbm4b:s14+s3], $0x80, v2, vm0, $0xb8;
	[tilespmem:$0x18200] =	vst v63  }
0x113: {  	s21 =	simm.s32 $0x15A00  }
0x114: {  	[tilespmem:s21], [sflag:$0x3] =	stream.indirect_vreg.gather [hbm4b:s15+s3], $0x80, v2, vm0, $0xb8;
	[tilespmem:$0x18200] =	vst v63  }
0x115: {  	s21 =	simm.s32 $0x16200  }
0x116: {  	[tilespmem:s21], [sflag:$0x3] =	stream.indirect_vreg.gather [hbm4b:s16+s3], $0x80, v2, vm0, $0xb8;
	[tilespmem:$0x18200] =	vst v63  }
0x117: {  	s21 =	simm.s32 $0x16A00  }
0x118: {  	[tilespmem:s21], [sflag:$0x3] =	stream.indirect_vreg.gather [hbm4b:s17+s3], $0x80, v2, vm0, $0xb8;
	[tilespmem:$0x18200] =	vst v63  }
0x119: {  	s21 =	simm.s32 $0x17200  }
0x11a: {  	[tilespmem:s21], [sflag:$0x3] =	stream.indirect_vreg.gather [hbm4b:s18+s3], $0x80, v2, vm0, $0xb8;
	[tilespmem:$0x18200] =	vst v63  }
0x11b: {  	s21 =	simm.s32 $0x17A00  }
0x11c: {  	[tilespmem:s21], [sflag:$0x3] =	stream.indirect_vreg.gather [hbm4b:s20+s3], $0x80, v2, vm0, $0xb8;
	[tilespmem:$0x18200] =	vst v63  }
0x11d: {  	_ =	swait.ge [sflag:s4], $0x8000  }
0x11e: {  	[sflag:s4] =	ssyncset.done $0x0  }
0x11f: {  	s1 =	sadd.s32 $0x5000, s1;
	[sflag:s4] =	ssyncadd.s32 $0xFFFF8000  }
0x120: {  	[hbm4b:s1+s3] =	stream.linear.scatter [tilespmem:s26], [sflag:$0x6], $0x8000, $0x38;
	[tilespmem:$0x18200] =	vst v63  }
0x121: {  	_ =	swait.ge [sflag:s24], $0x8000  }
0x122: {  	[sflag:s24] =	ssyncset.done $0x0  }
0x123: {  	[sflag:s24] =	ssyncadd.s32 $0xFFFF8000  }
0x124: {  	v2 =	vld.msk [tilespmem:s25+$0x0], $0xff;
	_ =	sdelay $0x4  }
0x125: {  	v3 =	vshll.u32 v2, $0x5  }
0x126: {  	v2 =	vand.u32 $0x7, v2;
	v3 =	vand.u32 $0xFFFFFF00, v3  }
0x127: {  	v2 =	vor.u32 v2, v3  }
0x128: {  	v2 =	vperm.xlane v2, v0;
	_ =	sdelay $0x1  }
0x129: {  	v2 =	vadd.s32 v1, v2;
	_ =	sdelay $0x4  }
0x12a: {  	[tilespmem:s30], [sflag:$0x1] =	stream.indirect_vreg.gather [hbm4b:s2+s3], $0x80, v2, vm0, $0xb8;
	[tilespmem:$0x18200] =	vst v63  }
0x12b: {  	s29 =	simm.s32 $0xA00  }
0x12c: {  	[tilespmem:s29], [sflag:$0x1] =	stream.indirect_vreg.gather [hbm4b:s5+s3], $0x80, v2, vm0, $0xb8;
	[tilespmem:$0x18200] =	vst v63  }
0x12d: {  	s1 =	simm.s32 $0x1200  }
0x12e: {  	[tilespmem:s1], [sflag:$0x1] =	stream.indirect_vreg.gather [hbm4b:s6+s3], $0x80, v2, vm0, $0xb8;
	[tilespmem:$0x18200] =	vst v63  }
0x12f: {  	s1 =	simm.s32 $0x1A00  }
0x130: {  	[tilespmem:s1], [sflag:$0x1] =	stream.indirect_vreg.gather [hbm4b:s7+s3], $0x80, v2, vm0, $0xb8;
	[tilespmem:$0x18200] =	vst v63  }
0x131: {  	s30 =	simm.s32 $0x2200  }
0x132: {  	[tilespmem:s30], [sflag:$0x1] =	stream.indirect_vreg.gather [hbm4b:s8+s3], $0x80, v2, vm0, $0xb8;
	[tilespmem:$0x18200] =	vst v63  }
0x133: {  	s1 =	simm.s32 $0x2A00  }
0x134: {  	[tilespmem:s1], [sflag:$0x1] =	stream.indirect_vreg.gather [hbm4b:s9+s3], $0x80, v2, vm0, $0xb8;
	[tilespmem:$0x18200] =	vst v63  }
0x135: {  	s1 =	simm.s32 $0x3200  }
0x136: {  	[tilespmem:s1], [sflag:$0x1] =	stream.indirect_vreg.gather [hbm4b:s10+s3], $0x80, v2, vm0, $0xb8;
	[tilespmem:$0x18200] =	vst v63  }
0x137: {  	s1 =	simm.s32 $0x3A00  }
0x138: {  	[tilespmem:s1], [sflag:$0x1] =	stream.indirect_vreg.gather [hbm4b:s11+s3], $0x80, v2, vm0, $0xb8;
	[tilespmem:$0x18200] =	vst v63  }
0x139: {  	s1 =	simm.s32 $0x4200  }
0x13a: {  	[tilespmem:s1], [sflag:$0x1] =	stream.indirect_vreg.gather [hbm4b:s12+s3], $0x80, v2, vm0, $0xb8;
	[tilespmem:$0x18200] =	vst v63  }
0x13b: {  	s1 =	simm.s32 $0x4A00  }
0x13c: {  	[tilespmem:s1], [sflag:$0x1] =	stream.indirect_vreg.gather [hbm4b:s13+s3], $0x80, v2, vm0, $0xb8;
	[tilespmem:$0x18200] =	vst v63  }
0x13d: {  	s1 =	simm.s32 $0x5200  }
0x13e: {  	[tilespmem:s1], [sflag:$0x1] =	stream.indirect_vreg.gather [hbm4b:s14+s3], $0x80, v2, vm0, $0xb8;
	[tilespmem:$0x18200] =	vst v63  }
0x13f: {  	s1 =	simm.s32 $0x5A00  }
0x140: {  	[tilespmem:s1], [sflag:$0x1] =	stream.indirect_vreg.gather [hbm4b:s15+s3], $0x80, v2, vm0, $0xb8;
	[tilespmem:$0x18200] =	vst v63  }
0x141: {  	s1 =	simm.s32 $0x6200  }
0x142: {  	[tilespmem:s1], [sflag:$0x1] =	stream.indirect_vreg.gather [hbm4b:s16+s3], $0x80, v2, vm0, $0xb8;
	[tilespmem:$0x18200] =	vst v63  }
0x143: {  	p0 =	sne.s32 s28, $0x39000;
	s1 =	simm.s32 $0x6A00  }
0x144: {  	[tilespmem:s1], [sflag:$0x1] =	stream.indirect_vreg.gather [hbm4b:s17+s3], $0x80, v2, vm0, $0xb8;
	[tilespmem:$0x18200] =	vst v63  }
.Ltmp0:
0x145: {  	_ = 	snop;
	(pc) =	sbr.rel @p0 .LBB2_2-.Ltmp0, $4  }
0x146: {  	s28 =	sadd.s32 $0x3000, s28;
	s1 =	simm.s32 $0x7200  }
0x147: {  	[tilespmem:s1], [sflag:$0x1] =	stream.indirect_vreg.gather [hbm4b:s18+s3], $0x80, v2, vm0, $0xb8;
	[tilespmem:$0x18200] =	vst v63  }
0x148: {  	s21 =	simm.s32 $0x200;
	s25 =	sadd.s32 $0x18, s25;
	s1 =	simm.s32 $0x7A00  }
0x149: {  	[tilespmem:s1], [sflag:$0x1] =	stream.indirect_vreg.gather [hbm4b:s20+s3], $0x80, v2, vm0, $0xb8;
	[tilespmem:$0x18200] =	vst v63  }
0x14a: {  	_ =	swait.ge [sflag:s0], $0x8000  }
0x14b: {  	[sflag:s0] =	ssyncset.done $0x0  }
0x14c: {  	s1 =	rddreg [dreg:$0x9];
	[sflag:s0] =	ssyncadd.s32 $0xFFFF8000  }
0x14d: {  	[hbm4b:s1+s3] =	stream.linear.scatter [tilespmem:s21], [sflag:$0x4], $0x8000, $0x38;
	[tilespmem:$0x18200] =	vst v63  }
0x14e: {  	_ =	swait.ge [sflag:s19], $0x8000  }
0x14f: {  	[sflag:s19] =	ssyncset.done $0x0  }
0x150: {  	[sflag:s19] =	ssyncadd.s32 $0xFFFF8000  }
0x151: {  	_ =	swait.ge [sflag:s31], $0x8000  }
0x152: {  	[sflag:s31] =	ssyncset.done $0x0  }
0x153: {  	[sflag:s31] =	ssyncadd.s32 $0xFFFF8000  }
0x154: {  	_ =	swait.ge [sflag:s24], $0x8000  }
0x155: {  	s22 =	rddreg [dreg:$0xb]  }
0x156: {  	s26 =	rddreg [dreg:$0xa];
	s22 =	sadd.s32 $0x1, s22  }
0x157: {  	p0 =	sne.s32 s22, s26  }
.Ltmp1:
0x158: {  	_ = 	snop;
	(pc) =	sbr.rel @p0 .LBB2_1-.Ltmp1, $3  }
0x159: {  	_ =	sdelay $0x1  }
0x15a: {  	s25 =	simm.s32 $0x1A00;
	s28 =	simm.s32 $0x3200;
	[sflag:s24] =	ssyncset.done $0x0  }
0x15b: {  	s21 =	simm.s32 $0x2A00;
	[sflag:s24] =	ssyncadd.s32 $0xFFFF8000;
	s26 =	simm.s32 $0x1200  }
0x15c: {  	_ =	sfence.sel $0x180000  }
0x15d: {  	[bflag:$0x0] =	sbarrier.arrive $0xFFFF  }
0x15e: {  	_ =	strace $0x90000047  }
0x15f: {  	s0 =	stileid.u32;
	[bflag:$0x2] =	sbarrier.arrive $0xFFFF  }
0x160: {  	p0 =	sne.s32 s0, $0x0;
	s0 =	rddreg [dreg:$0x3]  }
0x161: {  	s0 =	sadd.s32 @!p0 $0x100000, s0  }
0x162: {  	[sflag:s0] =	ssyncadd.tile.s32 @!p0 $0x1;
	_ =	shalt  }
.Lfunc_end2:
_tile_overlayer_lowered:
.L_overlay_start_2:
0x163: {  	(tag) =	ssettag $0x2  }
0x164: {  	s0 =	rddreg [dreg:$0x0];
	s2 =	stileid.u32  }
0x165: {  	s1 =	rddreg [dreg:$0x1];
	p0 =	sne.s32 s2, $0x0  }
0x166: {  	s3 =	rddreg [dreg:$0x2];
	[bflag:$0x3] =	sbarrier.arrive $0xFFFF;
	s2 =	simm.s32 @!p0 $0x1C07  }
0x167: {  	[timem:s3], [sflag:s2] =	dma.local @!p0 [hbm:s0], s1  }
0x168: {  	s0 =	simm.s32 @!p0 $0x7  }
0x169: {  	_ =	swait.ge @!p0 [sflag:s0], s1  }
0x16a: {  	s1 =	ssub.s32 @!p0 $0x0, s1;
	[sflag:s0] =	ssyncset.done @!p0 $0x0  }
0x16b: {  	[sflag:s0] =	ssyncadd.s32 @!p0 s1  }
0x16c: {  	[bflag:$0x3] =	sbarrier.arrive $0xFFFF  }
0x16d: {  	_ =	shalt  }

</sc_bundles>
